<compile_context>
chip_gen: v7x
topology: tpu7x:2x2x1
jax: 0.10.2.dev20260603
libtpu: 0.0.44.dev20260713+nightly
codegen_flags: <defaults>
</compile_context>

<pallas_src>
import functools

import jax
import jax.numpy as jnp
from jax import lax
from jax.experimental import pallas as pl
from jax.experimental.pallas import tpu as pltpu
from jax.experimental.pallas import tpu_sc as plsc

NC = 2
NS = 16
NW = NC * NS
K = 128


def _sc_mesh():
    return plsc.VectorSubcoreMesh(
        core_axis_name="c", subcore_axis_name="s", num_cores=NC, num_subcores=NS
    )


def _pad_rows(n):
    return ((n // NS + 7) // 8) * 8


def _make_deg_kernel(n, ch):
    rps = _pad_rows(n)
    npad = rps * NS
    cpw = ch // NW

    @functools.partial(
        pl.kernel,
        out_type=jax.ShapeDtypeStruct((NC, npad, 128), jnp.float32),
        mesh=_sc_mesh(),
        scratch_types=[
            pltpu.VMEM_SHARED((npad, 128), jnp.float32),
            pltpu.VMEM((cpw, K), jnp.int32),
            pltpu.VMEM((K, 128), jnp.float32),
        ],
    )
    def deg_kernel(dst2_hbm, zeros_hbm, ones_hbm, out_hbm, acc, dst_all, ones_v):
        cid = lax.axis_index("c")
        sid = lax.axis_index("s")
        gwid = cid * NS + sid
        pltpu.sync_copy(dst2_hbm.at[pl.ds(gwid * cpw, cpw)], dst_all)
        pltpu.sync_copy(zeros_hbm, acc.at[pl.ds(sid * rps, rps)])
        pltpu.sync_copy(ones_hbm, ones_v)
        plsc.subcore_barrier()

        def body(j, carry):
            pltpu.sync_copy(ones_v, acc.at[dst_all.at[j]], add=True)
            return carry

        lax.fori_loop(0, cpw, body, 0)
        plsc.subcore_barrier()
        pltpu.sync_copy(
            acc.at[pl.ds(sid * rps, rps)], out_hbm.at[cid, pl.ds(sid * rps, rps)]
        )

    return deg_kernel


def _make_agg_kernel(n, ch, d):
    rps = _pad_rows(n)
    npad = rps * NS
    cpw = ch // NW

    @functools.partial(
        pl.kernel,
        out_type=jax.ShapeDtypeStruct((NC, npad, d), jnp.float32),
        mesh=_sc_mesh(),
        scratch_types=[
            pltpu.VMEM_SHARED((npad, d), jnp.float32),
            pltpu.VMEM((K,), jnp.int32),
            pltpu.VMEM((K,), jnp.int32),
            pltpu.VMEM((K, d), jnp.float32),
            pltpu.SemaphoreType.DMA,
        ],
    )
    def agg_kernel(ys_hbm, src_hbm, dst_hbm, zeros_hbm, out_hbm,
                   acc, srcb, dstb, rows, sem):
        cid = lax.axis_index("c")
        sid = lax.axis_index("s")
        gwid = cid * NS + sid
        pltpu.sync_copy(zeros_hbm, acc.at[pl.ds(sid * rps, rps)])
        plsc.subcore_barrier()
        nw = (ch - gwid + NW - 1) // NW

        def body(i, carry):
            ci = (gwid + i * NW) * K
            pltpu.sync_copy(src_hbm.at[pl.ds(ci, K)], srcb)
            pltpu.sync_copy(dst_hbm.at[pl.ds(ci, K)], dstb)
            pltpu.async_copy(ys_hbm.at[srcb], rows, sem).wait()
            pltpu.sync_copy(rows, acc.at[dstb], add=True)
            return carry

        lax.fori_loop(0, nw, body, 0)
        plsc.subcore_barrier()
        pltpu.sync_copy(
            acc.at[pl.ds(sid * rps, rps)], out_hbm.at[cid, pl.ds(sid * rps, rps)]
        )

    return agg_kernel



BN = 400


def _tc1_body(degp_ref, x_ref, w_ref, b_ref, ys_ref, p_ref, dis_ref):
    deg = degp_ref[0, :, 0:1] + degp_ref[1, :, 0:1] + 1.0
    dis = lax.rsqrt(jnp.maximum(deg, 1.0))
    xw = jnp.dot(x_ref[...], w_ref[...], preferred_element_type=jnp.float32)
    ys_ref[...] = dis * xw
    p_ref[...] = (dis * dis) * xw + b_ref[...]
    dis_ref[...] = dis


def _tc_mid_body(acc_ref, p_ref, dis_ref, w_ref, b_ref, ys_ref, p2_ref):
    d = dis_ref[...]
    h = jnp.maximum(d * (acc_ref[0] + acc_ref[1]) + p_ref[...], 0.0)
    xw = jnp.dot(h, w_ref[...], preferred_element_type=jnp.float32)
    ys_ref[...] = d * xw
    p2_ref[...] = (d * d) * xw + b_ref[...]


def _tc_final_body(acc_ref, p_ref, dis_ref, w_ref, b_ref, z_ref):
    d = dis_ref[...]
    h = jnp.maximum(d * (acc_ref[0] + acc_ref[1]) + p_ref[...], 0.0)
    z_ref[...] = (
        jnp.dot(h, w_ref[...], preferred_element_type=jnp.float32) + b_ref[...]
    )


def _full_spec(shape):
    return pl.BlockSpec(shape, lambda i: tuple(0 for _ in shape))


def kernel(x, edge_index, W1, b1, W2, b2, Wl, bl):
    n, d_in = x.shape
    e = edge_index.shape[1]
    h1 = W1.shape[1]
    h2 = W2.shape[1]
    d_out = Wl.shape[1]
    assert n % BN == 0

    assert e % K == 0
    rps = _pad_rows(n)
    npad = rps * NS
    src = edge_index[0]
    dst = edge_index[1]
    chunk_quant = NW * 8 * K
    e_pad = ((e + chunk_quant - 1) // chunk_quant) * chunk_quant
    ch = e_pad // K
    dummy_dst = n + jnp.arange(e_pad - e, dtype=jnp.int32) % (npad - n)
    dst_pad = jnp.concatenate([dst, dummy_dst]).reshape(ch, K)
    zerosd = jnp.zeros((rps, h1), jnp.float32)
    ones128 = jnp.ones((K, 128), jnp.float32)

    degp = _make_deg_kernel(n, ch)(dst_pad, zerosd, ones128)

    grid = n // BN
    tc1 = pl.pallas_call(
        _tc1_body,
        grid=(grid,),
        in_specs=[
            pl.BlockSpec((NC, BN, 128), lambda i: (0, i, 0)),
            pl.BlockSpec((BN, d_in), lambda i: (i, 0)),
            _full_spec((d_in, h1)),
            _full_spec((1, h1)),
        ],
        out_specs=[
            pl.BlockSpec((BN, h1), lambda i: (i, 0)),
            pl.BlockSpec((BN, h1), lambda i: (i, 0)),
            pl.BlockSpec((BN, 1), lambda i: (i, 0)),
        ],
        out_shape=[
            jax.ShapeDtypeStruct((n, h1), jnp.float32),
            jax.ShapeDtypeStruct((n, h1), jnp.float32),
            jax.ShapeDtypeStruct((n, 1), jnp.float32),
        ],
    )
    ys1, p1, dis = tc1(degp, x, W1, b1.reshape(1, h1))

    acc1 = _make_agg_kernel(n, e // K, h1)(ys1, src, dst, zerosd)

    tc2 = pl.pallas_call(
        _tc_mid_body,
        grid=(grid,),
        in_specs=[
            pl.BlockSpec((NC, BN, h1), lambda i: (0, i, 0)),
            pl.BlockSpec((BN, h1), lambda i: (i, 0)),
            pl.BlockSpec((BN, 1), lambda i: (i, 0)),
            _full_spec((h1, h2)),
            _full_spec((1, h2)),
        ],
        out_specs=[
            pl.BlockSpec((BN, h2), lambda i: (i, 0)),
            pl.BlockSpec((BN, h2), lambda i: (i, 0)),
        ],
        out_shape=[
            jax.ShapeDtypeStruct((n, h2), jnp.float32),
            jax.ShapeDtypeStruct((n, h2), jnp.float32),
        ],
    )
    ys2, p2 = tc2(acc1, p1, dis, W2, b2.reshape(1, h2))

    acc2 = _make_agg_kernel(n, e // K, h2)(ys2, src, dst, zerosd)

    tc3 = pl.pallas_call(
        _tc_final_body,
        grid=(grid,),
        in_specs=[
            pl.BlockSpec((NC, BN, h2), lambda i: (0, i, 0)),
            pl.BlockSpec((BN, h2), lambda i: (i, 0)),
            pl.BlockSpec((BN, 1), lambda i: (i, 0)),
            _full_spec((h2, d_out)),
            _full_spec((1, d_out)),
        ],
        out_specs=[pl.BlockSpec((BN, d_out), lambda i: (i, 0))],
        out_shape=[jax.ShapeDtypeStruct((n, d_out), jnp.float32)],
    )
    (z,) = tc3(acc2, p2, dis, Wl, bl.reshape(1, d_out))
    return z

# --- scband reference (transcript-rebuilt; emitter-appended) ---
"""Pipeline reference for scband-net-16011638079942 (READ-ONLY COPY).

The authoritative reference and input builder live on the scoring server;
editing this copy changes nothing except your own understanding.
"""

import jax, jax.numpy as jnp
import numpy as np

N = 10000
E = 320000
D_IN = 128
H1 = 128
H2 = 128
D_OUT = 64


def setup_inputs(seed: int = 0) -> dict:
    key = jax.random.key(seed)
    ks = jax.random.split(key, 9)
    x = jax.random.normal(ks[0], (N, D_IN), dtype=jnp.float32)
    edge_index = jax.random.randint(ks[1], (2, E), 0, N, dtype=jnp.int32)
    W1 = jax.random.normal(ks[2], (D_IN, H1), dtype=jnp.float32) * (1.0 / np.sqrt(D_IN))
    b1 = jnp.zeros((H1,), dtype=jnp.float32)
    W2 = jax.random.normal(ks[3], (H1, H2), dtype=jnp.float32) * (1.0 / np.sqrt(H1))
    b2 = jnp.zeros((H2,), dtype=jnp.float32)
    Wl = jax.random.normal(ks[4], (H2, D_OUT), dtype=jnp.float32) * (1.0 / np.sqrt(H2))
    bl = jnp.zeros((D_OUT,), dtype=jnp.float32)
    return {"x": x, "edge_index": edge_index, "W1": W1, "b1": b1, "W2": W2, "b2": b2, "Wl": Wl, "bl": bl}


def _gcn_layer(x, src, dst, norm, W, b):
    # PyG GCNConv: x' = D^{-1/2} (A + I) D^{-1/2} (x W) + b
    xw = x @ W
    msg = norm[:, None] * jnp.take(xw, src, axis=0)
    out = jnp.zeros((N, W.shape[1]), dtype=xw.dtype).at[dst].add(msg)
    return out + b


def reference(x, edge_index, W1, b1, W2, b2, Wl, bl):
    # add self loops
    loop = jnp.arange(N, dtype=edge_index.dtype)
    src = jnp.concatenate([edge_index[0], loop])
    dst = jnp.concatenate([edge_index[1], loop])
    # symmetric normalization using dst degree (incl. self loops)
    deg = jnp.zeros((N,), dtype=jnp.float32).at[dst].add(1.0)
    dis = jax.lax.rsqrt(jnp.maximum(deg, 1.0))
    norm = dis[src] * dis[dst]
    h = jax.nn.relu(_gcn_layer(x, src, dst, norm, W1, b1))
    h = jax.nn.relu(_gcn_layer(h, src, dst, norm, W2, b2))
    # dropout is identity in eval mode
    z = h @ Wl + bl
    return z

if __name__ == "__main__":
    import jax
    _d = setup_inputs()
    print(jax.jit(kernel)(*tuple(_d.values())))

</pallas_src>

<mosaic_0001>
#map = affine_map<(d0, d1) -> (0, 0)>
#map1 = affine_map<(d0, d1) -> (0, 0, 0)>
module attributes {stable_mosaic.version = 14 : i64} {
  func.func @deg_kernel(%arg0: i32, %arg1: i32, %arg2: memref<2560x128xi32, #tpu.memory_space<hbm>>, %arg3: memref<632x128xf32, #tpu.memory_space<hbm>>, %arg4: memref<128x128xf32, #tpu.memory_space<hbm>>, %arg5: memref<2x10112x128xf32, #tpu.memory_space<hbm>>, %arg6: memref<10112x128xf32, #tpu.memory_space<vmem_shared>>, %arg7: memref<80x128xi32, #tpu.memory_space<vmem>>, %arg8: memref<128x128xf32, #tpu.memory_space<vmem>>) attributes {dimension_semantics = [#tpu.dimension_semantics<core_parallel>, #tpu.dimension_semantics<subcore_parallel>], iteration_bounds = array<i64: 2, 16>, scalar_prefetch = 0 : i64, scratch_operands = 3 : i64, tpu.core_type = #tpu.core_type<sc_vector_subcore>, window_params = [{transform_indices = #map}, {transform_indices = #map}, {transform_indices = #map}, {transform_indices = #map1}]} {
    %mul3A = arith.constant 16 : i32
    %mul3A_0 = arith.muli %arg0, %mul3A : i32
    %add3A = arith.addi %mul3A_0, %arg1 : i32
    %mul3A_1 = arith.constant 80 : i32
    %mul3A_2 = arith.muli %add3A, %mul3A_1 : i32
    "tpu.region"() ({
      %run_scoped3A = tpu.sem_alloc : memref<!tpu.dma_semaphore, #tpu.memory_space<semaphore_mem>>
      %dma_start3A = arith.constant 0 : i32
      %dma_start3A_15 = tpu.memref_slice %arg2[%mul3A_2, %dma_start3A] : memref<2560x128xi32, #tpu.memory_space<hbm>> -> memref<80x128xi32, #tpu.memory_space<hbm>>
      %dma_start3A_16 = arith.constant 0 : i32
      %dma_start3A_17 = tpu.memref_slice %arg2[%mul3A_2, %dma_start3A_16] : memref<2560x128xi32, #tpu.memory_space<hbm>> -> memref<80x128xi32, #tpu.memory_space<hbm>>
      tpu.enqueue_dma source(%dma_start3A_17 : memref<80x128xi32, #tpu.memory_space<hbm>>) target(%arg7 : memref<80x128xi32, #tpu.memory_space<vmem>>) target_semaphore(%run_scoped3A : memref<!tpu.dma_semaphore, #tpu.memory_space<semaphore_mem>>)
      %dma_wait3A = arith.constant 0 : i32
      %dma_wait3A_18 = tpu.memref_slice %arg2[%mul3A_2, %dma_wait3A] : memref<2560x128xi32, #tpu.memory_space<hbm>> -> memref<80x128xi32, #tpu.memory_space<hbm>>
      %dma_wait3A_19 = arith.constant 0 : i32
      %dma_wait3A_20 = tpu.memref_slice %arg2[%mul3A_2, %dma_wait3A_19] : memref<2560x128xi32, #tpu.memory_space<hbm>> -> memref<80x128xi32, #tpu.memory_space<hbm>>
      tpu.wait_dma2 semaphore(%run_scoped3A : memref<!tpu.dma_semaphore, #tpu.memory_space<semaphore_mem>>) src(%dma_wait3A_20 : memref<80x128xi32, #tpu.memory_space<hbm>>) dst(%arg7 : memref<80x128xi32, #tpu.memory_space<vmem>>)
      tpu.yield
    }) : () -> ()
    %mul3A_3 = arith.constant 632 : i32
    %mul3A_4 = arith.muli %arg1, %mul3A_3 : i32
    "tpu.region"() ({
      %run_scoped3A = tpu.sem_alloc : memref<!tpu.dma_semaphore, #tpu.memory_space<semaphore_mem>>
      %dma_start3A = arith.constant 0 : i32
      %dma_start3A_15 = tpu.memref_slice %arg6[%mul3A_4, %dma_start3A] : memref<10112x128xf32, #tpu.memory_space<vmem_shared>> -> memref<632x128xf32, #tpu.memory_space<vmem_shared>>
      tpu.enqueue_dma source(%arg3 : memref<632x128xf32, #tpu.memory_space<hbm>>) target(%dma_start3A_15 : memref<632x128xf32, #tpu.memory_space<vmem_shared>>) target_semaphore(%run_scoped3A : memref<!tpu.dma_semaphore, #tpu.memory_space<semaphore_mem>>)
      %dma_wait3A = arith.constant 0 : i32
      %dma_wait3A_16 = tpu.memref_slice %arg6[%mul3A_4, %dma_wait3A] : memref<10112x128xf32, #tpu.memory_space<vmem_shared>> -> memref<632x128xf32, #tpu.memory_space<vmem_shared>>
      tpu.wait_dma2 semaphore(%run_scoped3A : memref<!tpu.dma_semaphore, #tpu.memory_space<semaphore_mem>>) src(%arg3 : memref<632x128xf32, #tpu.memory_space<hbm>>) dst(%dma_wait3A_16 : memref<632x128xf32, #tpu.memory_space<vmem_shared>>)
      tpu.yield
    }) : () -> ()
    "tpu.region"() ({
      %run_scoped3A = tpu.sem_alloc : memref<!tpu.dma_semaphore, #tpu.memory_space<semaphore_mem>>
      tpu.enqueue_dma source(%arg4 : memref<128x128xf32, #tpu.memory_space<hbm>>) target(%arg8 : memref<128x128xf32, #tpu.memory_space<vmem>>) target_semaphore(%run_scoped3A : memref<!tpu.dma_semaphore, #tpu.memory_space<semaphore_mem>>)
      tpu.wait_dma2 semaphore(%run_scoped3A : memref<!tpu.dma_semaphore, #tpu.memory_space<semaphore_mem>>) src(%arg4 : memref<128x128xf32, #tpu.memory_space<hbm>>) dst(%arg8 : memref<128x128xf32, #tpu.memory_space<vmem>>)
      tpu.yield
    }) : () -> ()
    %barrier3A = arith.constant 0 : index
    tpu.barrier barrier_id(%barrier3A)
    %scan3A = arith.constant 0 : i32
    %scan3A_5 = arith.constant 0 : i32
    %scan3A_6 = arith.constant 80 : i32
    %scan3A_7 = arith.addi %scan3A_5, %scan3A_6 : i32
    %scan3A_8 = arith.constant 1 : i32
    scf.for %scan3A_15 = %scan3A_5 to %scan3A_7 step %scan3A_8  : i32 {
      "tpu.region"() ({
        %run_scoped3A = tpu.sem_alloc : memref<!tpu.dma_semaphore, #tpu.memory_space<semaphore_mem>>
        %dma_start3A = arith.constant 0 : i32
        %dma_start3A_16 = tpu.memref_slice %arg7[%scan3A_15, %dma_start3A] : memref<80x128xi32, #tpu.memory_space<vmem>> -> memref<1x128xi32, #tpu.memory_space<vmem>>
        %dma_start3A_17 = tpu.memref_squeeze %dma_start3A_16 : memref<1x128xi32, #tpu.memory_space<vmem>> -> memref<128xi32, #tpu.memory_space<vmem>>
        %dma_start3A_18 = arith.constant 0 : i32
        %dma_start3A_19 = arith.constant 0 : i32
        %dma_start3A_20 = tpu.memref_slice %arg6[%dma_start3A_18, %dma_start3A_19] : memref<10112x128xf32, #tpu.memory_space<vmem_shared>> -> memref<10112x128xf32, #tpu.memory_space<vmem_shared>>
        tpu.enqueue_indirect_dma source(%arg8 : memref<128x128xf32, #tpu.memory_space<vmem>>) target(%dma_start3A_20 : memref<10112x128xf32, #tpu.memory_space<vmem_shared>>) offsets(%dma_start3A_17 : memref<128xi32, #tpu.memory_space<vmem>>) semaphore(%run_scoped3A : memref<!tpu.dma_semaphore, #tpu.memory_space<semaphore_mem>>) {add = true}
        %dma_wait3A = arith.constant 0 : i32
        %dma_wait3A_21 = tpu.memref_slice %arg7[%scan3A_15, %dma_wait3A] : memref<80x128xi32, #tpu.memory_space<vmem>> -> memref<1x128xi32, #tpu.memory_space<vmem>>
        %dma_wait3A_22 = tpu.memref_squeeze %dma_wait3A_21 : memref<1x128xi32, #tpu.memory_space<vmem>> -> memref<128xi32, #tpu.memory_space<vmem>>
        %dma_wait3A_23 = arith.constant 0 : i32
        %dma_wait3A_24 = arith.constant 0 : i32
        %dma_wait3A_25 = tpu.memref_slice %arg6[%dma_wait3A_23, %dma_wait3A_24] : memref<10112x128xf32, #tpu.memory_space<vmem_shared>> -> memref<10112x128xf32, #tpu.memory_space<vmem_shared>>
        tpu.wait_indirect_dma semaphore(%run_scoped3A : memref<!tpu.dma_semaphore, #tpu.memory_space<semaphore_mem>>) src(%arg8 : memref<128x128xf32, #tpu.memory_space<vmem>>) dst(%dma_wait3A_25 : memref<10112x128xf32, #tpu.memory_space<vmem_shared>>)
        tpu.yield
      }) : () -> ()
    }
    %scan3A_9 = arith.constant 80 : i32
    %barrier3A_10 = arith.constant 0 : index
    tpu.barrier barrier_id(%barrier3A_10)
    %mul3A_11 = arith.constant 632 : i32
    %mul3A_12 = arith.muli %arg1, %mul3A_11 : i32
    %mul3A_13 = arith.constant 632 : i32
    %mul3A_14 = arith.muli %arg1, %mul3A_13 : i32
    "tpu.region"() ({
      %run_scoped3A = tpu.sem_alloc : memref<!tpu.dma_semaphore, #tpu.memory_space<semaphore_mem>>
      %dma_start3A = arith.constant 0 : i32
      %dma_start3A_15 = tpu.memref_slice %arg5[%arg0, %mul3A_14, %dma_start3A] : memref<2x10112x128xf32, #tpu.memory_space<hbm>> -> memref<1x632x128xf32, #tpu.memory_space<hbm>>
      %dma_start3A_16 = tpu.memref_squeeze %dma_start3A_15 : memref<1x632x128xf32, #tpu.memory_space<hbm>> -> memref<632x128xf32, #tpu.memory_space<hbm>>
      %dma_start3A_17 = arith.constant 0 : i32
      %dma_start3A_18 = tpu.memref_slice %arg6[%mul3A_12, %dma_start3A_17] : memref<10112x128xf32, #tpu.memory_space<vmem_shared>> -> memref<632x128xf32, #tpu.memory_space<vmem_shared>>
      tpu.enqueue_dma source(%dma_start3A_18 : memref<632x128xf32, #tpu.memory_space<vmem_shared>>) target(%dma_start3A_16 : memref<632x128xf32, #tpu.memory_space<hbm>>) target_semaphore(%run_scoped3A : memref<!tpu.dma_semaphore, #tpu.memory_space<semaphore_mem>>)
      %dma_wait3A = arith.constant 0 : i32
      %dma_wait3A_19 = tpu.memref_slice %arg5[%arg0, %mul3A_14, %dma_wait3A] : memref<2x10112x128xf32, #tpu.memory_space<hbm>> -> memref<1x632x128xf32, #tpu.memory_space<hbm>>
      %dma_wait3A_20 = tpu.memref_squeeze %dma_wait3A_19 : memref<1x632x128xf32, #tpu.memory_space<hbm>> -> memref<632x128xf32, #tpu.memory_space<hbm>>
      %dma_wait3A_21 = arith.constant 0 : i32
      %dma_wait3A_22 = tpu.memref_slice %arg6[%mul3A_12, %dma_wait3A_21] : memref<10112x128xf32, #tpu.memory_space<vmem_shared>> -> memref<632x128xf32, #tpu.memory_space<vmem_shared>>
      tpu.wait_dma2 semaphore(%run_scoped3A : memref<!tpu.dma_semaphore, #tpu.memory_space<semaphore_mem>>) src(%dma_wait3A_22 : memref<632x128xf32, #tpu.memory_space<vmem_shared>>) dst(%dma_wait3A_20 : memref<632x128xf32, #tpu.memory_space<hbm>>)
      tpu.yield
    }) : () -> ()
    return
  }
}

#map = affine_map<(d0, d1) -> (0, 0)>
#map1 = affine_map<(d0, d1) -> (0)>
#map2 = affine_map<(d0, d1) -> (0, 0, 0)>
module attributes {stable_mosaic.version = 14 : i64} {
  func.func @agg_kernel(%arg0: i32, %arg1: i32, %arg2: memref<10000x128xf32, #tpu.memory_space<hbm>>, %arg3: memref<320000xi32, #tpu.memory_space<hbm>>, %arg4: memref<320000xi32, #tpu.memory_space<hbm>>, %arg5: memref<632x128xf32, #tpu.memory_space<hbm>>, %arg6: memref<2x10112x128xf32, #tpu.memory_space<hbm>>, %arg7: memref<10112x128xf32, #tpu.memory_space<vmem_shared>>, %arg8: memref<128xi32, #tpu.memory_space<vmem>>, %arg9: memref<128xi32, #tpu.memory_space<vmem>>, %arg10: memref<128x128xf32, #tpu.memory_space<vmem>>, %arg11: memref<!tpu.dma_semaphore, #tpu.memory_space<semaphore_mem>>) attributes {dimension_semantics = [#tpu.dimension_semantics<core_parallel>, #tpu.dimension_semantics<subcore_parallel>], iteration_bounds = array<i64: 2, 16>, scalar_prefetch = 0 : i64, scratch_operands = 5 : i64, tpu.core_type = #tpu.core_type<sc_vector_subcore>, window_params = [{transform_indices = #map}, {transform_indices = #map1}, {transform_indices = #map1}, {transform_indices = #map}, {transform_indices = #map2}]} {
    %mul3A = arith.constant 16 : i32
    %mul3A_0 = arith.muli %arg0, %mul3A : i32
    %add3A = arith.addi %mul3A_0, %arg1 : i32
    %mul3A_1 = arith.constant 632 : i32
    %mul3A_2 = arith.muli %arg1, %mul3A_1 : i32
    "tpu.region"() ({
      %run_scoped3A = tpu.sem_alloc : memref<!tpu.dma_semaphore, #tpu.memory_space<semaphore_mem>>
      %dma_start3A = arith.constant 0 : i32
      %dma_start3A_39 = tpu.memref_slice %arg7[%mul3A_2, %dma_start3A] : memref<10112x128xf32, #tpu.memory_space<vmem_shared>> -> memref<632x128xf32, #tpu.memory_space<vmem_shared>>
      tpu.enqueue_dma source(%arg5 : memref<632x128xf32, #tpu.memory_space<hbm>>) target(%dma_start3A_39 : memref<632x128xf32, #tpu.memory_space<vmem_shared>>) target_semaphore(%run_scoped3A : memref<!tpu.dma_semaphore, #tpu.memory_space<semaphore_mem>>)
      %dma_wait3A = arith.constant 0 : i32
      %dma_wait3A_40 = tpu.memref_slice %arg7[%mul3A_2, %dma_wait3A] : memref<10112x128xf32, #tpu.memory_space<vmem_shared>> -> memref<632x128xf32, #tpu.memory_space<vmem_shared>>
      tpu.wait_dma2 semaphore(%run_scoped3A : memref<!tpu.dma_semaphore, #tpu.memory_space<semaphore_mem>>) src(%arg5 : memref<632x128xf32, #tpu.memory_space<hbm>>) dst(%dma_wait3A_40 : memref<632x128xf32, #tpu.memory_space<vmem_shared>>)
      tpu.yield
    }) : () -> ()
    %barrier3A = arith.constant 0 : index
    tpu.barrier barrier_id(%barrier3A)
    %sub3A = arith.constant 2500 : i32
    %sub3A_3 = arith.subi %sub3A, %add3A : i32
    %add3A_4 = arith.constant 32 : i32
    %add3A_5 = arith.addi %sub3A_3, %add3A_4 : i32
    %sub3A_6 = arith.constant 1 : i32
    %sub3A_7 = arith.subi %add3A_5, %sub3A_6 : i32
    %jit3A = arith.constant 32 : i32
    %div3A = arith.divsi %sub3A_7, %jit3A : i32
    %sign3A = arith.constant 0 : i32
    %sign3A_8 = arith.cmpi sgt, %sub3A_7, %sign3A : i32
    %sign3A_9 = arith.extui %sign3A_8 : i1 to i32
    %sign3A_10 = arith.constant 0 : i32
    %sign3A_11 = arith.cmpi slt, %sub3A_7, %sign3A_10 : i32
    %sign3A_12 = arith.extui %sign3A_11 : i1 to i32
    %sign3A_13 = arith.subi %sign3A_9, %sign3A_12 : i32
    %sign3A_14 = arith.constant 0 : i32
    %sign3A_15 = arith.cmpi sgt, %jit3A, %sign3A_14 : i32
    %sign3A_16 = arith.extui %sign3A_15 : i1 to i32
    %sign3A_17 = arith.constant 0 : i32
    %sign3A_18 = arith.cmpi slt, %jit3A, %sign3A_17 : i32
    %sign3A_19 = arith.extui %sign3A_18 : i1 to i32
    %sign3A_20 = arith.subi %sign3A_16, %sign3A_19 : i32
    %ne3A = arith.cmpi ne, %sign3A_13, %sign3A_20 : i32
    %rem3A = arith.remsi %sub3A_7, %jit3A : i32
    %ne3A_21 = arith.constant 0 : i32
    %ne3A_22 = arith.cmpi ne, %rem3A, %ne3A_21 : i32
    %and3A = arith.andi %ne3A, %ne3A_22 : i1
    %sub3A_23 = arith.constant 1 : i32
    %sub3A_24 = arith.subi %div3A, %sub3A_23 : i32
    %select_n3A = arith.select %and3A, %sub3A_24, %div3A : i32
    %while3A = arith.constant 0 : i32
    %while3A_25 = arith.constant 0 : i32
    %while3A_26 = arith.subi %select_n3A, %while3A_25 : i32
    %while3A_27 = arith.addi %while3A_25, %while3A_26 : i32
    %while3A_28 = arith.constant 1 : i32
    %while3A_29 = arith.divsi %while3A_26, %while3A_28 : i32
    %while3A_30 = arith.muli %while3A_29, %while3A_28 : i32
    %while3A_31 = arith.addi %while3A_25, %while3A_30 : i32
    %while3A_32 = arith.constant 1 : i32
    scf.for %while3A_39 = %while3A_25 to %while3A_31 step %while3A_32  : i32 {
      %mul3A_40 = arith.constant 32 : i32
      %mul3A_41 = arith.muli %while3A_39, %mul3A_40 : i32
      %add3A_42 = arith.addi %add3A, %mul3A_41 : i32
      %mul3A_43 = arith.constant 128 : i32
      %mul3A_44 = arith.muli %add3A_42, %mul3A_43 : i32
      "tpu.region"() ({
        %run_scoped3A = tpu.sem_alloc : memref<!tpu.dma_semaphore, #tpu.memory_space<semaphore_mem>>
        %dma_start3A_49 = tpu.memref_slice %arg3[%mul3A_44] : memref<320000xi32, #tpu.memory_space<hbm>> -> memref<128xi32, #tpu.memory_space<hbm>>
        %dma_start3A_50 = tpu.memref_slice %arg3[%mul3A_44] : memref<320000xi32, #tpu.memory_space<hbm>> -> memref<128xi32, #tpu.memory_space<hbm>>
        tpu.enqueue_dma source(%dma_start3A_50 : memref<128xi32, #tpu.memory_space<hbm>>) target(%arg8 : memref<128xi32, #tpu.memory_space<vmem>>) target_semaphore(%run_scoped3A : memref<!tpu.dma_semaphore, #tpu.memory_space<semaphore_mem>>)
        %dma_wait3A_51 = tpu.memref_slice %arg3[%mul3A_44] : memref<320000xi32, #tpu.memory_space<hbm>> -> memref<128xi32, #tpu.memory_space<hbm>>
        %dma_wait3A_52 = tpu.memref_slice %arg3[%mul3A_44] : memref<320000xi32, #tpu.memory_space<hbm>> -> memref<128xi32, #tpu.memory_space<hbm>>
        tpu.wait_dma2 semaphore(%run_scoped3A : memref<!tpu.dma_semaphore, #tpu.memory_space<semaphore_mem>>) src(%dma_wait3A_52 : memref<128xi32, #tpu.memory_space<hbm>>) dst(%arg8 : memref<128xi32, #tpu.memory_space<vmem>>)
        tpu.yield
      }) : () -> ()
      "tpu.region"() ({
        %run_scoped3A = tpu.sem_alloc : memref<!tpu.dma_semaphore, #tpu.memory_space<semaphore_mem>>
        %dma_start3A_49 = tpu.memref_slice %arg4[%mul3A_44] : memref<320000xi32, #tpu.memory_space<hbm>> -> memref<128xi32, #tpu.memory_space<hbm>>
        %dma_start3A_50 = tpu.memref_slice %arg4[%mul3A_44] : memref<320000xi32, #tpu.memory_space<hbm>> -> memref<128xi32, #tpu.memory_space<hbm>>
        tpu.enqueue_dma source(%dma_start3A_50 : memref<128xi32, #tpu.memory_space<hbm>>) target(%arg9 : memref<128xi32, #tpu.memory_space<vmem>>) target_semaphore(%run_scoped3A : memref<!tpu.dma_semaphore, #tpu.memory_space<semaphore_mem>>)
        %dma_wait3A_51 = tpu.memref_slice %arg4[%mul3A_44] : memref<320000xi32, #tpu.memory_space<hbm>> -> memref<128xi32, #tpu.memory_space<hbm>>
        %dma_wait3A_52 = tpu.memref_slice %arg4[%mul3A_44] : memref<320000xi32, #tpu.memory_space<hbm>> -> memref<128xi32, #tpu.memory_space<hbm>>
        tpu.wait_dma2 semaphore(%run_scoped3A : memref<!tpu.dma_semaphore, #tpu.memory_space<semaphore_mem>>) src(%dma_wait3A_52 : memref<128xi32, #tpu.memory_space<hbm>>) dst(%arg9 : memref<128xi32, #tpu.memory_space<vmem>>)
        tpu.yield
      }) : () -> ()
      %dma_start3A = arith.constant 0 : i32
      %dma_start3A_45 = arith.constant 0 : i32
      %dma_start3A_46 = tpu.memref_slice %arg2[%dma_start3A, %dma_start3A_45] : memref<10000x128xf32, #tpu.memory_space<hbm>> -> memref<10000x128xf32, #tpu.memory_space<hbm>>
      tpu.enqueue_indirect_dma source(%dma_start3A_46 : memref<10000x128xf32, #tpu.memory_space<hbm>>) target(%arg10 : memref<128x128xf32, #tpu.memory_space<vmem>>) offsets(%arg8 : memref<128xi32, #tpu.memory_space<vmem>>) semaphore(%arg11 : memref<!tpu.dma_semaphore, #tpu.memory_space<semaphore_mem>>)
      %dma_wait3A = arith.constant 0 : i32
      %dma_wait3A_47 = arith.constant 0 : i32
      %dma_wait3A_48 = tpu.memref_slice %arg2[%dma_wait3A, %dma_wait3A_47] : memref<10000x128xf32, #tpu.memory_space<hbm>> -> memref<10000x128xf32, #tpu.memory_space<hbm>>
      tpu.wait_indirect_dma semaphore(%arg11 : memref<!tpu.dma_semaphore, #tpu.memory_space<semaphore_mem>>) src(%dma_wait3A_48 : memref<10000x128xf32, #tpu.memory_space<hbm>>) dst(%arg10 : memref<128x128xf32, #tpu.memory_space<vmem>>)
      "tpu.region"() ({
        %run_scoped3A = tpu.sem_alloc : memref<!tpu.dma_semaphore, #tpu.memory_space<semaphore_mem>>
        %dma_start3A_49 = arith.constant 0 : i32
        %dma_start3A_50 = arith.constant 0 : i32
        %dma_start3A_51 = tpu.memref_slice %arg7[%dma_start3A_49, %dma_start3A_50] : memref<10112x128xf32, #tpu.memory_space<vmem_shared>> -> memref<10112x128xf32, #tpu.memory_space<vmem_shared>>
        tpu.enqueue_indirect_dma source(%arg10 : memref<128x128xf32, #tpu.memory_space<vmem>>) target(%dma_start3A_51 : memref<10112x128xf32, #tpu.memory_space<vmem_shared>>) offsets(%arg9 : memref<128xi32, #tpu.memory_space<vmem>>) semaphore(%run_scoped3A : memref<!tpu.dma_semaphore, #tpu.memory_space<semaphore_mem>>) {add = true}
        %dma_wait3A_52 = arith.constant 0 : i32
        %dma_wait3A_53 = arith.constant 0 : i32
        %dma_wait3A_54 = tpu.memref_slice %arg7[%dma_wait3A_52, %dma_wait3A_53] : memref<10112x128xf32, #tpu.memory_space<vmem_shared>> -> memref<10112x128xf32, #tpu.memory_space<vmem_shared>>
        tpu.wait_indirect_dma semaphore(%run_scoped3A : memref<!tpu.dma_semaphore, #tpu.memory_space<semaphore_mem>>) src(%arg10 : memref<128x128xf32, #tpu.memory_space<vmem>>) dst(%dma_wait3A_54 : memref<10112x128xf32, #tpu.memory_space<vmem_shared>>)
        tpu.yield
      }) : () -> ()
    }
    %while3A_33 = arith.constant 1 : i32
    scf.for %while3A_39 = %while3A_31 to %while3A_27 step %while3A_33  : i32 {
      %mul3A_40 = arith.constant 32 : i32
      %mul3A_41 = arith.muli %while3A_39, %mul3A_40 : i32
      %add3A_42 = arith.addi %add3A, %mul3A_41 : i32
      %mul3A_43 = arith.constant 128 : i32
      %mul3A_44 = arith.muli %add3A_42, %mul3A_43 : i32
      "tpu.region"() ({
        %run_scoped3A = tpu.sem_alloc : memref<!tpu.dma_semaphore, #tpu.memory_space<semaphore_mem>>
        %dma_start3A_49 = tpu.memref_slice %arg3[%mul3A_44] : memref<320000xi32, #tpu.memory_space<hbm>> -> memref<128xi32, #tpu.memory_space<hbm>>
        %dma_start3A_50 = tpu.memref_slice %arg3[%mul3A_44] : memref<320000xi32, #tpu.memory_space<hbm>> -> memref<128xi32, #tpu.memory_space<hbm>>
        tpu.enqueue_dma source(%dma_start3A_50 : memref<128xi32, #tpu.memory_space<hbm>>) target(%arg8 : memref<128xi32, #tpu.memory_space<vmem>>) target_semaphore(%run_scoped3A : memref<!tpu.dma_semaphore, #tpu.memory_space<semaphore_mem>>)
        %dma_wait3A_51 = tpu.memref_slice %arg3[%mul3A_44] : memref<320000xi32, #tpu.memory_space<hbm>> -> memref<128xi32, #tpu.memory_space<hbm>>
        %dma_wait3A_52 = tpu.memref_slice %arg3[%mul3A_44] : memref<320000xi32, #tpu.memory_space<hbm>> -> memref<128xi32, #tpu.memory_space<hbm>>
        tpu.wait_dma2 semaphore(%run_scoped3A : memref<!tpu.dma_semaphore, #tpu.memory_space<semaphore_mem>>) src(%dma_wait3A_52 : memref<128xi32, #tpu.memory_space<hbm>>) dst(%arg8 : memref<128xi32, #tpu.memory_space<vmem>>)
        tpu.yield
      }) : () -> ()
      "tpu.region"() ({
        %run_scoped3A = tpu.sem_alloc : memref<!tpu.dma_semaphore, #tpu.memory_space<semaphore_mem>>
        %dma_start3A_49 = tpu.memref_slice %arg4[%mul3A_44] : memref<320000xi32, #tpu.memory_space<hbm>> -> memref<128xi32, #tpu.memory_space<hbm>>
        %dma_start3A_50 = tpu.memref_slice %arg4[%mul3A_44] : memref<320000xi32, #tpu.memory_space<hbm>> -> memref<128xi32, #tpu.memory_space<hbm>>
        tpu.enqueue_dma source(%dma_start3A_50 : memref<128xi32, #tpu.memory_space<hbm>>) target(%arg9 : memref<128xi32, #tpu.memory_space<vmem>>) target_semaphore(%run_scoped3A : memref<!tpu.dma_semaphore, #tpu.memory_space<semaphore_mem>>)
        %dma_wait3A_51 = tpu.memref_slice %arg4[%mul3A_44] : memref<320000xi32, #tpu.memory_space<hbm>> -> memref<128xi32, #tpu.memory_space<hbm>>
        %dma_wait3A_52 = tpu.memref_slice %arg4[%mul3A_44] : memref<320000xi32, #tpu.memory_space<hbm>> -> memref<128xi32, #tpu.memory_space<hbm>>
        tpu.wait_dma2 semaphore(%run_scoped3A : memref<!tpu.dma_semaphore, #tpu.memory_space<semaphore_mem>>) src(%dma_wait3A_52 : memref<128xi32, #tpu.memory_space<hbm>>) dst(%arg9 : memref<128xi32, #tpu.memory_space<vmem>>)
        tpu.yield
      }) : () -> ()
      %dma_start3A = arith.constant 0 : i32
      %dma_start3A_45 = arith.constant 0 : i32
      %dma_start3A_46 = tpu.memref_slice %arg2[%dma_start3A, %dma_start3A_45] : memref<10000x128xf32, #tpu.memory_space<hbm>> -> memref<10000x128xf32, #tpu.memory_space<hbm>>
      tpu.enqueue_indirect_dma source(%dma_start3A_46 : memref<10000x128xf32, #tpu.memory_space<hbm>>) target(%arg10 : memref<128x128xf32, #tpu.memory_space<vmem>>) offsets(%arg8 : memref<128xi32, #tpu.memory_space<vmem>>) semaphore(%arg11 : memref<!tpu.dma_semaphore, #tpu.memory_space<semaphore_mem>>)
      %dma_wait3A = arith.constant 0 : i32
      %dma_wait3A_47 = arith.constant 0 : i32
      %dma_wait3A_48 = tpu.memref_slice %arg2[%dma_wait3A, %dma_wait3A_47] : memref<10000x128xf32, #tpu.memory_space<hbm>> -> memref<10000x128xf32, #tpu.memory_space<hbm>>
      tpu.wait_indirect_dma semaphore(%arg11 : memref<!tpu.dma_semaphore, #tpu.memory_space<semaphore_mem>>) src(%dma_wait3A_48 : memref<10000x128xf32, #tpu.memory_space<hbm>>) dst(%arg10 : memref<128x128xf32, #tpu.memory_space<vmem>>)
      "tpu.region"() ({
        %run_scoped3A = tpu.sem_alloc : memref<!tpu.dma_semaphore, #tpu.memory_space<semaphore_mem>>
        %dma_start3A_49 = arith.constant 0 : i32
        %dma_start3A_50 = arith.constant 0 : i32
        %dma_start3A_51 = tpu.memref_slice %arg7[%dma_start3A_49, %dma_start3A_50] : memref<10112x128xf32, #tpu.memory_space<vmem_shared>> -> memref<10112x128xf32, #tpu.memory_space<vmem_shared>>
        tpu.enqueue_indirect_dma source(%arg10 : memref<128x128xf32, #tpu.memory_space<vmem>>) target(%dma_start3A_51 : memref<10112x128xf32, #tpu.memory_space<vmem_shared>>) offsets(%arg9 : memref<128xi32, #tpu.memory_space<vmem>>) semaphore(%run_scoped3A : memref<!tpu.dma_semaphore, #tpu.memory_space<semaphore_mem>>) {add = true}
        %dma_wait3A_52 = arith.constant 0 : i32
        %dma_wait3A_53 = arith.constant 0 : i32
        %dma_wait3A_54 = tpu.memref_slice %arg7[%dma_wait3A_52, %dma_wait3A_53] : memref<10112x128xf32, #tpu.memory_space<vmem_shared>> -> memref<10112x128xf32, #tpu.memory_space<vmem_shared>>
        tpu.wait_indirect_dma semaphore(%run_scoped3A : memref<!tpu.dma_semaphore, #tpu.memory_space<semaphore_mem>>) src(%arg10 : memref<128x128xf32, #tpu.memory_space<vmem>>) dst(%dma_wait3A_54 : memref<10112x128xf32, #tpu.memory_space<vmem_shared>>)
        tpu.yield
      }) : () -> ()
    }
    %barrier3A_34 = arith.constant 0 : index
    tpu.barrier barrier_id(%barrier3A_34)
    %mul3A_35 = arith.constant 632 : i32
    %mul3A_36 = arith.muli %arg1, %mul3A_35 : i32
    %mul3A_37 = arith.constant 632 : i32
    %mul3A_38 = arith.muli %arg1, %mul3A_37 : i32
    "tpu.region"() ({
      %run_scoped3A = tpu.sem_alloc : memref<!tpu.dma_semaphore, #tpu.memory_space<semaphore_mem>>
      %dma_start3A = arith.constant 0 : i32
      %dma_start3A_39 = tpu.memref_slice %arg6[%arg0, %mul3A_38, %dma_start3A] : memref<2x10112x128xf32, #tpu.memory_space<hbm>> -> memref<1x632x128xf32, #tpu.memory_space<hbm>>
      %dma_start3A_40 = tpu.memref_squeeze %dma_start3A_39 : memref<1x632x128xf32, #tpu.memory_space<hbm>> -> memref<632x128xf32, #tpu.memory_space<hbm>>
      %dma_start3A_41 = arith.constant 0 : i32
      %dma_start3A_42 = tpu.memref_slice %arg7[%mul3A_36, %dma_start3A_41] : memref<10112x128xf32, #tpu.memory_space<vmem_shared>> -> memref<632x128xf32, #tpu.memory_space<vmem_shared>>
      tpu.enqueue_dma source(%dma_start3A_42 : memref<632x128xf32, #tpu.memory_space<vmem_shared>>) target(%dma_start3A_40 : memref<632x128xf32, #tpu.memory_space<hbm>>) target_semaphore(%run_scoped3A : memref<!tpu.dma_semaphore, #tpu.memory_space<semaphore_mem>>)
      %dma_wait3A = arith.constant 0 : i32
      %dma_wait3A_43 = tpu.memref_slice %arg6[%arg0, %mul3A_38, %dma_wait3A] : memref<2x10112x128xf32, #tpu.memory_space<hbm>> -> memref<1x632x128xf32, #tpu.memory_space<hbm>>
      %dma_wait3A_44 = tpu.memref_squeeze %dma_wait3A_43 : memref<1x632x128xf32, #tpu.memory_space<hbm>> -> memref<632x128xf32, #tpu.memory_space<hbm>>
      %dma_wait3A_45 = arith.constant 0 : i32
      %dma_wait3A_46 = tpu.memref_slice %arg7[%mul3A_36, %dma_wait3A_45] : memref<10112x128xf32, #tpu.memory_space<vmem_shared>> -> memref<632x128xf32, #tpu.memory_space<vmem_shared>>
      tpu.wait_dma2 semaphore(%run_scoped3A : memref<!tpu.dma_semaphore, #tpu.memory_space<semaphore_mem>>) src(%dma_wait3A_46 : memref<632x128xf32, #tpu.memory_space<vmem_shared>>) dst(%dma_wait3A_44 : memref<632x128xf32, #tpu.memory_space<hbm>>)
      tpu.yield
    }) : () -> ()
    return
  }
}

#map = affine_map<(d0, d1) -> (0, 0)>
#map1 = affine_map<(d0, d1) -> (0)>
#map2 = affine_map<(d0, d1) -> (0, 0, 0)>
module attributes {stable_mosaic.version = 14 : i64} {
  func.func @agg_kernel(%arg0: i32, %arg1: i32, %arg2: memref<10000x128xf32, #tpu.memory_space<hbm>>, %arg3: memref<320000xi32, #tpu.memory_space<hbm>>, %arg4: memref<320000xi32, #tpu.memory_space<hbm>>, %arg5: memref<632x128xf32, #tpu.memory_space<hbm>>, %arg6: memref<2x10112x128xf32, #tpu.memory_space<hbm>>, %arg7: memref<10112x128xf32, #tpu.memory_space<vmem_shared>>, %arg8: memref<128xi32, #tpu.memory_space<vmem>>, %arg9: memref<128xi32, #tpu.memory_space<vmem>>, %arg10: memref<128x128xf32, #tpu.memory_space<vmem>>, %arg11: memref<!tpu.dma_semaphore, #tpu.memory_space<semaphore_mem>>) attributes {dimension_semantics = [#tpu.dimension_semantics<core_parallel>, #tpu.dimension_semantics<subcore_parallel>], iteration_bounds = array<i64: 2, 16>, scalar_prefetch = 0 : i64, scratch_operands = 5 : i64, tpu.core_type = #tpu.core_type<sc_vector_subcore>, window_params = [{transform_indices = #map}, {transform_indices = #map1}, {transform_indices = #map1}, {transform_indices = #map}, {transform_indices = #map2}]} {
    %mul3A = arith.constant 16 : i32
    %mul3A_0 = arith.muli %arg0, %mul3A : i32
    %add3A = arith.addi %mul3A_0, %arg1 : i32
    %mul3A_1 = arith.constant 632 : i32
    %mul3A_2 = arith.muli %arg1, %mul3A_1 : i32
    "tpu.region"() ({
      %run_scoped3A = tpu.sem_alloc : memref<!tpu.dma_semaphore, #tpu.memory_space<semaphore_mem>>
      %dma_start3A = arith.constant 0 : i32
      %dma_start3A_39 = tpu.memref_slice %arg7[%mul3A_2, %dma_start3A] : memref<10112x128xf32, #tpu.memory_space<vmem_shared>> -> memref<632x128xf32, #tpu.memory_space<vmem_shared>>
      tpu.enqueue_dma source(%arg5 : memref<632x128xf32, #tpu.memory_space<hbm>>) target(%dma_start3A_39 : memref<632x128xf32, #tpu.memory_space<vmem_shared>>) target_semaphore(%run_scoped3A : memref<!tpu.dma_semaphore, #tpu.memory_space<semaphore_mem>>)
      %dma_wait3A = arith.constant 0 : i32
      %dma_wait3A_40 = tpu.memref_slice %arg7[%mul3A_2, %dma_wait3A] : memref<10112x128xf32, #tpu.memory_space<vmem_shared>> -> memref<632x128xf32, #tpu.memory_space<vmem_shared>>
      tpu.wait_dma2 semaphore(%run_scoped3A : memref<!tpu.dma_semaphore, #tpu.memory_space<semaphore_mem>>) src(%arg5 : memref<632x128xf32, #tpu.memory_space<hbm>>) dst(%dma_wait3A_40 : memref<632x128xf32, #tpu.memory_space<vmem_shared>>)
      tpu.yield
    }) : () -> ()
    %barrier3A = arith.constant 0 : index
    tpu.barrier barrier_id(%barrier3A)
    %sub3A = arith.constant 2500 : i32
    %sub3A_3 = arith.subi %sub3A, %add3A : i32
    %add3A_4 = arith.constant 32 : i32
    %add3A_5 = arith.addi %sub3A_3, %add3A_4 : i32
    %sub3A_6 = arith.constant 1 : i32
    %sub3A_7 = arith.subi %add3A_5, %sub3A_6 : i32
    %jit3A = arith.constant 32 : i32
    %div3A = arith.divsi %sub3A_7, %jit3A : i32
    %sign3A = arith.constant 0 : i32
    %sign3A_8 = arith.cmpi sgt, %sub3A_7, %sign3A : i32
    %sign3A_9 = arith.extui %sign3A_8 : i1 to i32
    %sign3A_10 = arith.constant 0 : i32
    %sign3A_11 = arith.cmpi slt, %sub3A_7, %sign3A_10 : i32
    %sign3A_12 = arith.extui %sign3A_11 : i1 to i32
    %sign3A_13 = arith.subi %sign3A_9, %sign3A_12 : i32
    %sign3A_14 = arith.constant 0 : i32
    %sign3A_15 = arith.cmpi sgt, %jit3A, %sign3A_14 : i32
    %sign3A_16 = arith.extui %sign3A_15 : i1 to i32
    %sign3A_17 = arith.constant 0 : i32
    %sign3A_18 = arith.cmpi slt, %jit3A, %sign3A_17 : i32
    %sign3A_19 = arith.extui %sign3A_18 : i1 to i32
    %sign3A_20 = arith.subi %sign3A_16, %sign3A_19 : i32
    %ne3A = arith.cmpi ne, %sign3A_13, %sign3A_20 : i32
    %rem3A = arith.remsi %sub3A_7, %jit3A : i32
    %ne3A_21 = arith.constant 0 : i32
    %ne3A_22 = arith.cmpi ne, %rem3A, %ne3A_21 : i32
    %and3A = arith.andi %ne3A, %ne3A_22 : i1
    %sub3A_23 = arith.constant 1 : i32
    %sub3A_24 = arith.subi %div3A, %sub3A_23 : i32
    %select_n3A = arith.select %and3A, %sub3A_24, %div3A : i32
    %while3A = arith.constant 0 : i32
    %while3A_25 = arith.constant 0 : i32
    %while3A_26 = arith.subi %select_n3A, %while3A_25 : i32
    %while3A_27 = arith.addi %while3A_25, %while3A_26 : i32
    %while3A_28 = arith.constant 1 : i32
    %while3A_29 = arith.divsi %while3A_26, %while3A_28 : i32
    %while3A_30 = arith.muli %while3A_29, %while3A_28 : i32
    %while3A_31 = arith.addi %while3A_25, %while3A_30 : i32
    %while3A_32 = arith.constant 1 : i32
    scf.for %while3A_39 = %while3A_25 to %while3A_31 step %while3A_32  : i32 {
      %mul3A_40 = arith.constant 32 : i32
      %mul3A_41 = arith.muli %while3A_39, %mul3A_40 : i32
      %add3A_42 = arith.addi %add3A, %mul3A_41 : i32
      %mul3A_43 = arith.constant 128 : i32
      %mul3A_44 = arith.muli %add3A_42, %mul3A_43 : i32
      "tpu.region"() ({
        %run_scoped3A = tpu.sem_alloc : memref<!tpu.dma_semaphore, #tpu.memory_space<semaphore_mem>>
        %dma_start3A_49 = tpu.memref_slice %arg3[%mul3A_44] : memref<320000xi32, #tpu.memory_space<hbm>> -> memref<128xi32, #tpu.memory_space<hbm>>
        %dma_start3A_50 = tpu.memref_slice %arg3[%mul3A_44] : memref<320000xi32, #tpu.memory_space<hbm>> -> memref<128xi32, #tpu.memory_space<hbm>>
        tpu.enqueue_dma source(%dma_start3A_50 : memref<128xi32, #tpu.memory_space<hbm>>) target(%arg8 : memref<128xi32, #tpu.memory_space<vmem>>) target_semaphore(%run_scoped3A : memref<!tpu.dma_semaphore, #tpu.memory_space<semaphore_mem>>)
        %dma_wait3A_51 = tpu.memref_slice %arg3[%mul3A_44] : memref<320000xi32, #tpu.memory_space<hbm>> -> memref<128xi32, #tpu.memory_space<hbm>>
        %dma_wait3A_52 = tpu.memref_slice %arg3[%mul3A_44] : memref<320000xi32, #tpu.memory_space<hbm>> -> memref<128xi32, #tpu.memory_space<hbm>>
        tpu.wait_dma2 semaphore(%run_scoped3A : memref<!tpu.dma_semaphore, #tpu.memory_space<semaphore_mem>>) src(%dma_wait3A_52 : memref<128xi32, #tpu.memory_space<hbm>>) dst(%arg8 : memref<128xi32, #tpu.memory_space<vmem>>)
        tpu.yield
      }) : () -> ()
      "tpu.region"() ({
        %run_scoped3A = tpu.sem_alloc : memref<!tpu.dma_semaphore, #tpu.memory_space<semaphore_mem>>
        %dma_start3A_49 = tpu.memref_slice %arg4[%mul3A_44] : memref<320000xi32, #tpu.memory_space<hbm>> -> memref<128xi32, #tpu.memory_space<hbm>>
        %dma_start3A_50 = tpu.memref_slice %arg4[%mul3A_44] : memref<320000xi32, #tpu.memory_space<hbm>> -> memref<128xi32, #tpu.memory_space<hbm>>
        tpu.enqueue_dma source(%dma_start3A_50 : memref<128xi32, #tpu.memory_space<hbm>>) target(%arg9 : memref<128xi32, #tpu.memory_space<vmem>>) target_semaphore(%run_scoped3A : memref<!tpu.dma_semaphore, #tpu.memory_space<semaphore_mem>>)
        %dma_wait3A_51 = tpu.memref_slice %arg4[%mul3A_44] : memref<320000xi32, #tpu.memory_space<hbm>> -> memref<128xi32, #tpu.memory_space<hbm>>
        %dma_wait3A_52 = tpu.memref_slice %arg4[%mul3A_44] : memref<320000xi32, #tpu.memory_space<hbm>> -> memref<128xi32, #tpu.memory_space<hbm>>
        tpu.wait_dma2 semaphore(%run_scoped3A : memref<!tpu.dma_semaphore, #tpu.memory_space<semaphore_mem>>) src(%dma_wait3A_52 : memref<128xi32, #tpu.memory_space<hbm>>) dst(%arg9 : memref<128xi32, #tpu.memory_space<vmem>>)
        tpu.yield
      }) : () -> ()
      %dma_start3A = arith.constant 0 : i32
      %dma_start3A_45 = arith.constant 0 : i32
      %dma_start3A_46 = tpu.memref_slice %arg2[%dma_start3A, %dma_start3A_45] : memref<10000x128xf32, #tpu.memory_space<hbm>> -> memref<10000x128xf32, #tpu.memory_space<hbm>>
      tpu.enqueue_indirect_dma source(%dma_start3A_46 : memref<10000x128xf32, #tpu.memory_space<hbm>>) target(%arg10 : memref<128x128xf32, #tpu.memory_space<vmem>>) offsets(%arg8 : memref<128xi32, #tpu.memory_space<vmem>>) semaphore(%arg11 : memref<!tpu.dma_semaphore, #tpu.memory_space<semaphore_mem>>)
      %dma_wait3A = arith.constant 0 : i32
      %dma_wait3A_47 = arith.constant 0 : i32
      %dma_wait3A_48 = tpu.memref_slice %arg2[%dma_wait3A, %dma_wait3A_47] : memref<10000x128xf32, #tpu.memory_space<hbm>> -> memref<10000x128xf32, #tpu.memory_space<hbm>>
      tpu.wait_indirect_dma semaphore(%arg11 : memref<!tpu.dma_semaphore, #tpu.memory_space<semaphore_mem>>) src(%dma_wait3A_48 : memref<10000x128xf32, #tpu.memory_space<hbm>>) dst(%arg10 : memref<128x128xf32, #tpu.memory_space<vmem>>)
      "tpu.region"() ({
        %run_scoped3A = tpu.sem_alloc : memref<!tpu.dma_semaphore, #tpu.memory_space<semaphore_mem>>
        %dma_start3A_49 = arith.constant 0 : i32
        %dma_start3A_50 = arith.constant 0 : i32
        %dma_start3A_51 = tpu.memref_slice %arg7[%dma_start3A_49, %dma_start3A_50] : memref<10112x128xf32, #tpu.memory_space<vmem_shared>> -> memref<10112x128xf32, #tpu.memory_space<vmem_shared>>
        tpu.enqueue_indirect_dma source(%arg10 : memref<128x128xf32, #tpu.memory_space<vmem>>) target(%dma_start3A_51 : memref<10112x128xf32, #tpu.memory_space<vmem_shared>>) offsets(%arg9 : memref<128xi32, #tpu.memory_space<vmem>>) semaphore(%run_scoped3A : memref<!tpu.dma_semaphore, #tpu.memory_space<semaphore_mem>>) {add = true}
        %dma_wait3A_52 = arith.constant 0 : i32
        %dma_wait3A_53 = arith.constant 0 : i32
        %dma_wait3A_54 = tpu.memref_slice %arg7[%dma_wait3A_52, %dma_wait3A_53] : memref<10112x128xf32, #tpu.memory_space<vmem_shared>> -> memref<10112x128xf32, #tpu.memory_space<vmem_shared>>
        tpu.wait_indirect_dma semaphore(%run_scoped3A : memref<!tpu.dma_semaphore, #tpu.memory_space<semaphore_mem>>) src(%arg10 : memref<128x128xf32, #tpu.memory_space<vmem>>) dst(%dma_wait3A_54 : memref<10112x128xf32, #tpu.memory_space<vmem_shared>>)
        tpu.yield
      }) : () -> ()
    }
    %while3A_33 = arith.constant 1 : i32
    scf.for %while3A_39 = %while3A_31 to %while3A_27 step %while3A_33  : i32 {
      %mul3A_40 = arith.constant 32 : i32
      %mul3A_41 = arith.muli %while3A_39, %mul3A_40 : i32
      %add3A_42 = arith.addi %add3A, %mul3A_41 : i32
      %mul3A_43 = arith.constant 128 : i32
      %mul3A_44 = arith.muli %add3A_42, %mul3A_43 : i32
      "tpu.region"() ({
        %run_scoped3A = tpu.sem_alloc : memref<!tpu.dma_semaphore, #tpu.memory_space<semaphore_mem>>
        %dma_start3A_49 = tpu.memref_slice %arg3[%mul3A_44] : memref<320000xi32, #tpu.memory_space<hbm>> -> memref<128xi32, #tpu.memory_space<hbm>>
        %dma_start3A_50 = tpu.memref_slice %arg3[%mul3A_44] : memref<320000xi32, #tpu.memory_space<hbm>> -> memref<128xi32, #tpu.memory_space<hbm>>
        tpu.enqueue_dma source(%dma_start3A_50 : memref<128xi32, #tpu.memory_space<hbm>>) target(%arg8 : memref<128xi32, #tpu.memory_space<vmem>>) target_semaphore(%run_scoped3A : memref<!tpu.dma_semaphore, #tpu.memory_space<semaphore_mem>>)
        %dma_wait3A_51 = tpu.memref_slice %arg3[%mul3A_44] : memref<320000xi32, #tpu.memory_space<hbm>> -> memref<128xi32, #tpu.memory_space<hbm>>
        %dma_wait3A_52 = tpu.memref_slice %arg3[%mul3A_44] : memref<320000xi32, #tpu.memory_space<hbm>> -> memref<128xi32, #tpu.memory_space<hbm>>
        tpu.wait_dma2 semaphore(%run_scoped3A : memref<!tpu.dma_semaphore, #tpu.memory_space<semaphore_mem>>) src(%dma_wait3A_52 : memref<128xi32, #tpu.memory_space<hbm>>) dst(%arg8 : memref<128xi32, #tpu.memory_space<vmem>>)
        tpu.yield
      }) : () -> ()
      "tpu.region"() ({
        %run_scoped3A = tpu.sem_alloc : memref<!tpu.dma_semaphore, #tpu.memory_space<semaphore_mem>>
        %dma_start3A_49 = tpu.memref_slice %arg4[%mul3A_44] : memref<320000xi32, #tpu.memory_space<hbm>> -> memref<128xi32, #tpu.memory_space<hbm>>
        %dma_start3A_50 = tpu.memref_slice %arg4[%mul3A_44] : memref<320000xi32, #tpu.memory_space<hbm>> -> memref<128xi32, #tpu.memory_space<hbm>>
        tpu.enqueue_dma source(%dma_start3A_50 : memref<128xi32, #tpu.memory_space<hbm>>) target(%arg9 : memref<128xi32, #tpu.memory_space<vmem>>) target_semaphore(%run_scoped3A : memref<!tpu.dma_semaphore, #tpu.memory_space<semaphore_mem>>)
        %dma_wait3A_51 = tpu.memref_slice %arg4[%mul3A_44] : memref<320000xi32, #tpu.memory_space<hbm>> -> memref<128xi32, #tpu.memory_space<hbm>>
        %dma_wait3A_52 = tpu.memref_slice %arg4[%mul3A_44] : memref<320000xi32, #tpu.memory_space<hbm>> -> memref<128xi32, #tpu.memory_space<hbm>>
        tpu.wait_dma2 semaphore(%run_scoped3A : memref<!tpu.dma_semaphore, #tpu.memory_space<semaphore_mem>>) src(%dma_wait3A_52 : memref<128xi32, #tpu.memory_space<hbm>>) dst(%arg9 : memref<128xi32, #tpu.memory_space<vmem>>)
        tpu.yield
      }) : () -> ()
      %dma_start3A = arith.constant 0 : i32
      %dma_start3A_45 = arith.constant 0 : i32
      %dma_start3A_46 = tpu.memref_slice %arg2[%dma_start3A, %dma_start3A_45] : memref<10000x128xf32, #tpu.memory_space<hbm>> -> memref<10000x128xf32, #tpu.memory_space<hbm>>
      tpu.enqueue_indirect_dma source(%dma_start3A_46 : memref<10000x128xf32, #tpu.memory_space<hbm>>) target(%arg10 : memref<128x128xf32, #tpu.memory_space<vmem>>) offsets(%arg8 : memref<128xi32, #tpu.memory_space<vmem>>) semaphore(%arg11 : memref<!tpu.dma_semaphore, #tpu.memory_space<semaphore_mem>>)
      %dma_wait3A = arith.constant 0 : i32
      %dma_wait3A_47 = arith.constant 0 : i32
      %dma_wait3A_48 = tpu.memref_slice %arg2[%dma_wait3A, %dma_wait3A_47] : memref<10000x128xf32, #tpu.memory_space<hbm>> -> memref<10000x128xf32, #tpu.memory_space<hbm>>
      tpu.wait_indirect_dma semaphore(%arg11 : memref<!tpu.dma_semaphore, #tpu.memory_space<semaphore_mem>>) src(%dma_wait3A_48 : memref<10000x128xf32, #tpu.memory_space<hbm>>) dst(%arg10 : memref<128x128xf32, #tpu.memory_space<vmem>>)
      "tpu.region"() ({
        %run_scoped3A = tpu.sem_alloc : memref<!tpu.dma_semaphore, #tpu.memory_space<semaphore_mem>>
        %dma_start3A_49 = arith.constant 0 : i32
        %dma_start3A_50 = arith.constant 0 : i32
        %dma_start3A_51 = tpu.memref_slice %arg7[%dma_start3A_49, %dma_start3A_50] : memref<10112x128xf32, #tpu.memory_space<vmem_shared>> -> memref<10112x128xf32, #tpu.memory_space<vmem_shared>>
        tpu.enqueue_indirect_dma source(%arg10 : memref<128x128xf32, #tpu.memory_space<vmem>>) target(%dma_start3A_51 : memref<10112x128xf32, #tpu.memory_space<vmem_shared>>) offsets(%arg9 : memref<128xi32, #tpu.memory_space<vmem>>) semaphore(%run_scoped3A : memref<!tpu.dma_semaphore, #tpu.memory_space<semaphore_mem>>) {add = true}
        %dma_wait3A_52 = arith.constant 0 : i32
        %dma_wait3A_53 = arith.constant 0 : i32
        %dma_wait3A_54 = tpu.memref_slice %arg7[%dma_wait3A_52, %dma_wait3A_53] : memref<10112x128xf32, #tpu.memory_space<vmem_shared>> -> memref<10112x128xf32, #tpu.memory_space<vmem_shared>>
        tpu.wait_indirect_dma semaphore(%run_scoped3A : memref<!tpu.dma_semaphore, #tpu.memory_space<semaphore_mem>>) src(%arg10 : memref<128x128xf32, #tpu.memory_space<vmem>>) dst(%dma_wait3A_54 : memref<10112x128xf32, #tpu.memory_space<vmem_shared>>)
        tpu.yield
      }) : () -> ()
    }
    %barrier3A_34 = arith.constant 0 : index
    tpu.barrier barrier_id(%barrier3A_34)
    %mul3A_35 = arith.constant 632 : i32
    %mul3A_36 = arith.muli %arg1, %mul3A_35 : i32
    %mul3A_37 = arith.constant 632 : i32
    %mul3A_38 = arith.muli %arg1, %mul3A_37 : i32
    "tpu.region"() ({
      %run_scoped3A = tpu.sem_alloc : memref<!tpu.dma_semaphore, #tpu.memory_space<semaphore_mem>>
      %dma_start3A = arith.constant 0 : i32
      %dma_start3A_39 = tpu.memref_slice %arg6[%arg0, %mul3A_38, %dma_start3A] : memref<2x10112x128xf32, #tpu.memory_space<hbm>> -> memref<1x632x128xf32, #tpu.memory_space<hbm>>
      %dma_start3A_40 = tpu.memref_squeeze %dma_start3A_39 : memref<1x632x128xf32, #tpu.memory_space<hbm>> -> memref<632x128xf32, #tpu.memory_space<hbm>>
      %dma_start3A_41 = arith.constant 0 : i32
      %dma_start3A_42 = tpu.memref_slice %arg7[%mul3A_36, %dma_start3A_41] : memref<10112x128xf32, #tpu.memory_space<vmem_shared>> -> memref<632x128xf32, #tpu.memory_space<vmem_shared>>
      tpu.enqueue_dma source(%dma_start3A_42 : memref<632x128xf32, #tpu.memory_space<vmem_shared>>) target(%dma_start3A_40 : memref<632x128xf32, #tpu.memory_space<hbm>>) target_semaphore(%run_scoped3A : memref<!tpu.dma_semaphore, #tpu.memory_space<semaphore_mem>>)
      %dma_wait3A = arith.constant 0 : i32
      %dma_wait3A_43 = tpu.memref_slice %arg6[%arg0, %mul3A_38, %dma_wait3A] : memref<2x10112x128xf32, #tpu.memory_space<hbm>> -> memref<1x632x128xf32, #tpu.memory_space<hbm>>
      %dma_wait3A_44 = tpu.memref_squeeze %dma_wait3A_43 : memref<1x632x128xf32, #tpu.memory_space<hbm>> -> memref<632x128xf32, #tpu.memory_space<hbm>>
      %dma_wait3A_45 = arith.constant 0 : i32
      %dma_wait3A_46 = tpu.memref_slice %arg7[%mul3A_36, %dma_wait3A_45] : memref<10112x128xf32, #tpu.memory_space<vmem_shared>> -> memref<632x128xf32, #tpu.memory_space<vmem_shared>>
      tpu.wait_dma2 semaphore(%run_scoped3A : memref<!tpu.dma_semaphore, #tpu.memory_space<semaphore_mem>>) src(%dma_wait3A_46 : memref<632x128xf32, #tpu.memory_space<vmem_shared>>) dst(%dma_wait3A_44 : memref<632x128xf32, #tpu.memory_space<hbm>>)
      tpu.yield
    }) : () -> ()
    return
  }
}

module attributes {stable_mosaic.version = 14 : i64} {
  func.func @_tc_mid_body(%arg0: i32, %arg1: memref<2x400x128xf32, #tpu.memory_space<vmem>>, %arg2: memref<400x128xf32, #tpu.memory_space<vmem>>, %arg3: memref<400x1xf32, #tpu.memory_space<vmem>>, %arg4: memref<128x128xf32, #tpu.memory_space<vmem>>, %arg5: memref<1x128xf32, #tpu.memory_space<vmem>>, %arg6: memref<400x128xf32, #tpu.memory_space<vmem>>, %arg7: memref<400x128xf32, #tpu.memory_space<vmem>>) attributes {dimension_semantics = [#tpu.dimension_semantics<arbitrary>], iteration_bounds = array<i64: 25>, scalar_prefetch = 0 : i64, scratch_operands = 0 : i64, tpu.core_type = #tpu.core_type<tc>, window_params = [{transform_indices = @transform_0, window_bounds = array<i64: 2, 400, 128>}, {transform_indices = @transform_1, window_bounds = array<i64: 400, 128>}, {transform_indices = @transform_2, window_bounds = array<i64: 400, 1>}, {pipeline_mode = #tpu.pipeline_mode<synchronous>, transform_indices = @transform_3, window_bounds = array<i64: 128, 128>}, {pipeline_mode = #tpu.pipeline_mode<synchronous>, transform_indices = @transform_4, window_bounds = array<i64: 1, 128>}, {transform_indices = @transform_5, window_bounds = array<i64: 400, 128>}, {transform_indices = @transform_6, window_bounds = array<i64: 400, 128>}]} {
    %get3A = arith.constant 0 : index
    %get3A_0 = arith.constant 0 : index
    %get3A_1 = vector.load %arg3[%get3A, %get3A_0] : memref<400x1xf32, #tpu.memory_space<vmem>>, vector<400x1xf32>
    %get3A_2 = arith.constant 0 : index
    %get3A_3 = arith.constant 0 : index
    %get3A_4 = arith.constant 0 : index
    %get3A_5 = vector.load %arg1[%get3A_2, %get3A_3, %get3A_4] : memref<2x400x128xf32, #tpu.memory_space<vmem>>, vector<1x400x128xf32>
    %get3A_6 = vector.shape_cast %get3A_5 : vector<1x400x128xf32> to vector<400x128xf32>
    %get3A_7 = arith.constant 1 : index
    %get3A_8 = arith.constant 0 : index
    %get3A_9 = arith.constant 0 : index
    %get3A_10 = vector.load %arg1[%get3A_7, %get3A_8, %get3A_9] : memref<2x400x128xf32, #tpu.memory_space<vmem>>, vector<1x400x128xf32>
    %get3A_11 = vector.shape_cast %get3A_10 : vector<1x400x128xf32> to vector<400x128xf32>
    %add3A = arith.addf %get3A_6, %get3A_11 : vector<400x128xf32>
    %mul3A = vector.broadcast %get3A_1 : vector<400x1xf32> to vector<400x128xf32>
    %mul3A_12 = arith.mulf %mul3A, %add3A : vector<400x128xf32>
    %get3A_13 = arith.constant 0 : index
    %get3A_14 = arith.constant 0 : index
    %get3A_15 = vector.load %arg2[%get3A_13, %get3A_14] : memref<400x128xf32, #tpu.memory_space<vmem>>, vector<400x128xf32>
    %add3A_16 = arith.addf %mul3A_12, %get3A_15 : vector<400x128xf32>
    %max3A = arith.constant 0.000000e+00 : f32
    %max3A_17 = vector.broadcast %max3A : f32 to vector<400x128xf32>
    %max3A_18 = arith.maximumf %add3A_16, %max3A_17 : vector<400x128xf32>
    %get3A_19 = arith.constant 0 : index
    %get3A_20 = arith.constant 0 : index
    %get3A_21 = vector.load %arg4[%get3A_19, %get3A_20] : memref<128x128xf32, #tpu.memory_space<vmem>>, vector<128x128xf32>
    %dot_general3A = arith.constant dense<0.000000e+00> : vector<400x128xf32>
    %dot_general3A_22 = tpu.matmul %max3A_18, %get3A_21, %dot_general3A {dimension_numbers = #tpu.dot_dimension_numbers<[1], [0], [0], [1], [0, 0, 1, 1], [], []>, transpose_lhs_hint = false} : vector<400x128xf32>, vector<128x128xf32>, vector<400x128xf32> -> vector<400x128xf32>
    %mul3A_23 = vector.broadcast %get3A_1 : vector<400x1xf32> to vector<400x128xf32>
    %mul3A_24 = arith.mulf %mul3A_23, %dot_general3A_22 : vector<400x128xf32>
    %swap3A = arith.constant 0 : index
    %swap3A_25 = arith.constant 0 : index
    %swap3A_26 = vector.load %arg6[%swap3A, %swap3A_25] : memref<400x128xf32, #tpu.memory_space<vmem>>, vector<400x128xf32>
    tpu.vector_store %arg6[%swap3A, %swap3A_25], %mul3A_24 {strides = array<i32>} : memref<400x128xf32, #tpu.memory_space<vmem>>, vector<400x128xf32>,
    %mul3A_27 = arith.mulf %get3A_1, %get3A_1 : vector<400x1xf32>
    %mul3A_28 = vector.broadcast %mul3A_27 : vector<400x1xf32> to vector<400x128xf32>
    %mul3A_29 = arith.mulf %mul3A_28, %dot_general3A_22 : vector<400x128xf32>
    %get3A_30 = arith.constant 0 : index
    %get3A_31 = arith.constant 0 : index
    %get3A_32 = vector.load %arg5[%get3A_30, %get3A_31] : memref<1x128xf32, #tpu.memory_space<vmem>>, vector<1x128xf32>
    %add3A_33 = vector.broadcast %get3A_32 : vector<1x128xf32> to vector<400x128xf32>
    %add3A_34 = arith.addf %mul3A_29, %add3A_33 : vector<400x128xf32>
    %swap3A_35 = arith.constant 0 : index
    %swap3A_36 = arith.constant 0 : index
    %swap3A_37 = vector.load %arg7[%swap3A_35, %swap3A_36] : memref<400x128xf32, #tpu.memory_space<vmem>>, vector<400x128xf32>
    tpu.vector_store %arg7[%swap3A_35, %swap3A_36], %add3A_34 {strides = array<i32>} : memref<400x128xf32, #tpu.memory_space<vmem>>, vector<400x128xf32>,
    return
  }
  func.func @transform_0(%arg0: i32) -> (i32, i32, i32) {
    %c0_i32 = arith.constant 0 : i32
    %c0_i32_0 = arith.constant 0 : i32
    %c0_i32_1 = arith.constant 0 : i32
    return %c0_i32, %arg0, %c0_i32_0 : i32, i32, i32
  }
  func.func @transform_1(%arg0: i32) -> (i32, i32) {
    %c0_i32 = arith.constant 0 : i32
    %c0_i32_0 = arith.constant 0 : i32
    return %arg0, %c0_i32 : i32, i32
  }
  func.func @transform_2(%arg0: i32) -> (i32, i32) {
    %c0_i32 = arith.constant 0 : i32
    %c0_i32_0 = arith.constant 0 : i32
    return %arg0, %c0_i32 : i32, i32
  }
  func.func @transform_3(%arg0: i32) -> (i32, i32) {
    %c0_i32 = arith.constant 0 : i32
    %c0_i32_0 = arith.constant 0 : i32
    %c0_i32_1 = arith.constant 0 : i32
    return %c0_i32, %c0_i32_0 : i32, i32
  }
  func.func @transform_4(%arg0: i32) -> (i32, i32) {
    %c0_i32 = arith.constant 0 : i32
    %c0_i32_0 = arith.constant 0 : i32
    %c0_i32_1 = arith.constant 0 : i32
    return %c0_i32, %c0_i32_0 : i32, i32
  }
  func.func @transform_5(%arg0: i32) -> (i32, i32) {
    %c0_i32 = arith.constant 0 : i32
    %c0_i32_0 = arith.constant 0 : i32
    return %arg0, %c0_i32 : i32, i32
  }
  func.func @transform_6(%arg0: i32) -> (i32, i32) {
    %c0_i32 = arith.constant 0 : i32
    %c0_i32_0 = arith.constant 0 : i32
    return %arg0, %c0_i32 : i32, i32
  }
}

module attributes {stable_mosaic.version = 14 : i64} {
  func.func @_tc1_body(%arg0: i32, %arg1: memref<2x400x128xf32, #tpu.memory_space<vmem>>, %arg2: memref<400x128xf32, #tpu.memory_space<vmem>>, %arg3: memref<128x128xf32, #tpu.memory_space<vmem>>, %arg4: memref<1x128xf32, #tpu.memory_space<vmem>>, %arg5: memref<400x128xf32, #tpu.memory_space<vmem>>, %arg6: memref<400x128xf32, #tpu.memory_space<vmem>>, %arg7: memref<400x1xf32, #tpu.memory_space<vmem>>) attributes {dimension_semantics = [#tpu.dimension_semantics<arbitrary>], iteration_bounds = array<i64: 25>, scalar_prefetch = 0 : i64, scratch_operands = 0 : i64, tpu.core_type = #tpu.core_type<tc>, window_params = [{transform_indices = @transform_0, window_bounds = array<i64: 2, 400, 128>}, {transform_indices = @transform_1, window_bounds = array<i64: 400, 128>}, {pipeline_mode = #tpu.pipeline_mode<synchronous>, transform_indices = @transform_2, window_bounds = array<i64: 128, 128>}, {pipeline_mode = #tpu.pipeline_mode<synchronous>, transform_indices = @transform_3, window_bounds = array<i64: 1, 128>}, {transform_indices = @transform_4, window_bounds = array<i64: 400, 128>}, {transform_indices = @transform_5, window_bounds = array<i64: 400, 128>}, {transform_indices = @transform_6, window_bounds = array<i64: 400, 1>}]} {
    %get3A = arith.constant 0 : index
    %get3A_0 = arith.constant 0 : index
    %get3A_1 = arith.constant 0 : index
    %get3A_2 = vector.load %arg1[%get3A, %get3A_0, %get3A_1] : memref<2x400x128xf32, #tpu.memory_space<vmem>>, vector<1x400x1xf32>
    %get3A_3 = vector.shape_cast %get3A_2 : vector<1x400x1xf32> to vector<400x1xf32>
    %get3A_4 = arith.constant 1 : index
    %get3A_5 = arith.constant 0 : index
    %get3A_6 = arith.constant 0 : index
    %get3A_7 = vector.load %arg1[%get3A_4, %get3A_5, %get3A_6] : memref<2x400x128xf32, #tpu.memory_space<vmem>>, vector<1x400x1xf32>
    %get3A_8 = vector.shape_cast %get3A_7 : vector<1x400x1xf32> to vector<400x1xf32>
    %add3A = arith.addf %get3A_3, %get3A_8 : vector<400x1xf32>
    %add3A_9 = arith.constant 1.000000e+00 : f32
    %add3A_10 = vector.broadcast %add3A_9 : f32 to vector<400x1xf32>
    %add3A_11 = arith.addf %add3A, %add3A_10 : vector<400x1xf32>
    %max3A = arith.constant 1.000000e+00 : f32
    %max3A_12 = vector.broadcast %max3A : f32 to vector<400x1xf32>
    %max3A_13 = arith.maximumf %add3A_11, %max3A_12 : vector<400x1xf32>
    %rsqrt3A = math.rsqrt %max3A_13 : vector<400x1xf32>
    %get3A_14 = arith.constant 0 : index
    %get3A_15 = arith.constant 0 : index
    %get3A_16 = vector.load %arg2[%get3A_14, %get3A_15] : memref<400x128xf32, #tpu.memory_space<vmem>>, vector<400x128xf32>
    %get3A_17 = arith.constant 0 : index
    %get3A_18 = arith.constant 0 : index
    %get3A_19 = vector.load %arg3[%get3A_17, %get3A_18] : memref<128x128xf32, #tpu.memory_space<vmem>>, vector<128x128xf32>
    %dot_general3A = arith.constant dense<0.000000e+00> : vector<400x128xf32>
    %dot_general3A_20 = tpu.matmul %get3A_16, %get3A_19, %dot_general3A {dimension_numbers = #tpu.dot_dimension_numbers<[1], [0], [0], [1], [0, 0, 1, 1], [], []>, transpose_lhs_hint = false} : vector<400x128xf32>, vector<128x128xf32>, vector<400x128xf32> -> vector<400x128xf32>
    %mul3A = vector.broadcast %rsqrt3A : vector<400x1xf32> to vector<400x128xf32>
    %mul3A_21 = arith.mulf %mul3A, %dot_general3A_20 : vector<400x128xf32>
    %swap3A = arith.constant 0 : index
    %swap3A_22 = arith.constant 0 : index
    %swap3A_23 = vector.load %arg5[%swap3A, %swap3A_22] : memref<400x128xf32, #tpu.memory_space<vmem>>, vector<400x128xf32>
    tpu.vector_store %arg5[%swap3A, %swap3A_22], %mul3A_21 {strides = array<i32>} : memref<400x128xf32, #tpu.memory_space<vmem>>, vector<400x128xf32>,
    %mul3A_24 = arith.mulf %rsqrt3A, %rsqrt3A : vector<400x1xf32>
    %mul3A_25 = vector.broadcast %mul3A_24 : vector<400x1xf32> to vector<400x128xf32>
    %mul3A_26 = arith.mulf %mul3A_25, %dot_general3A_20 : vector<400x128xf32>
    %get3A_27 = arith.constant 0 : index
    %get3A_28 = arith.constant 0 : index
    %get3A_29 = vector.load %arg4[%get3A_27, %get3A_28] : memref<1x128xf32, #tpu.memory_space<vmem>>, vector<1x128xf32>
    %add3A_30 = vector.broadcast %get3A_29 : vector<1x128xf32> to vector<400x128xf32>
    %add3A_31 = arith.addf %mul3A_26, %add3A_30 : vector<400x128xf32>
    %swap3A_32 = arith.constant 0 : index
    %swap3A_33 = arith.constant 0 : index
    %swap3A_34 = vector.load %arg6[%swap3A_32, %swap3A_33] : memref<400x128xf32, #tpu.memory_space<vmem>>, vector<400x128xf32>
    tpu.vector_store %arg6[%swap3A_32, %swap3A_33], %add3A_31 {strides = array<i32>} : memref<400x128xf32, #tpu.memory_space<vmem>>, vector<400x128xf32>,
    %swap3A_35 = arith.constant 0 : index
    %swap3A_36 = arith.constant 0 : index
    %swap3A_37 = vector.load %arg7[%swap3A_35, %swap3A_36] : memref<400x1xf32, #tpu.memory_space<vmem>>, vector<400x1xf32>
    tpu.vector_store %arg7[%swap3A_35, %swap3A_36], %rsqrt3A {strides = array<i32>} : memref<400x1xf32, #tpu.memory_space<vmem>>, vector<400x1xf32>,
    return
  }
  func.func @transform_0(%arg0: i32) -> (i32, i32, i32) {
    %c0_i32 = arith.constant 0 : i32
    %c0_i32_0 = arith.constant 0 : i32
    %c0_i32_1 = arith.constant 0 : i32
    return %c0_i32, %arg0, %c0_i32_0 : i32, i32, i32
  }
  func.func @transform_1(%arg0: i32) -> (i32, i32) {
    %c0_i32 = arith.constant 0 : i32
    %c0_i32_0 = arith.constant 0 : i32
    return %arg0, %c0_i32 : i32, i32
  }
  func.func @transform_2(%arg0: i32) -> (i32, i32) {
    %c0_i32 = arith.constant 0 : i32
    %c0_i32_0 = arith.constant 0 : i32
    %c0_i32_1 = arith.constant 0 : i32
    return %c0_i32, %c0_i32_0 : i32, i32
  }
  func.func @transform_3(%arg0: i32) -> (i32, i32) {
    %c0_i32 = arith.constant 0 : i32
    %c0_i32_0 = arith.constant 0 : i32
    %c0_i32_1 = arith.constant 0 : i32
    return %c0_i32, %c0_i32_0 : i32, i32
  }
  func.func @transform_4(%arg0: i32) -> (i32, i32) {
    %c0_i32 = arith.constant 0 : i32
    %c0_i32_0 = arith.constant 0 : i32
    return %arg0, %c0_i32 : i32, i32
  }
  func.func @transform_5(%arg0: i32) -> (i32, i32) {
    %c0_i32 = arith.constant 0 : i32
    %c0_i32_0 = arith.constant 0 : i32
    return %arg0, %c0_i32 : i32, i32
  }
  func.func @transform_6(%arg0: i32) -> (i32, i32) {
    %c0_i32 = arith.constant 0 : i32
    %c0_i32_0 = arith.constant 0 : i32
    return %arg0, %c0_i32 : i32, i32
  }
}

module attributes {stable_mosaic.version = 14 : i64} {
  func.func @_tc_final_body(%arg0: i32, %arg1: memref<2x400x128xf32, #tpu.memory_space<vmem>>, %arg2: memref<400x128xf32, #tpu.memory_space<vmem>>, %arg3: memref<400x1xf32, #tpu.memory_space<vmem>>, %arg4: memref<128x64xf32, #tpu.memory_space<vmem>>, %arg5: memref<1x64xf32, #tpu.memory_space<vmem>>, %arg6: memref<400x64xf32, #tpu.memory_space<vmem>>) attributes {dimension_semantics = [#tpu.dimension_semantics<arbitrary>], iteration_bounds = array<i64: 25>, scalar_prefetch = 0 : i64, scratch_operands = 0 : i64, tpu.core_type = #tpu.core_type<tc>, window_params = [{transform_indices = @transform_0, window_bounds = array<i64: 2, 400, 128>}, {transform_indices = @transform_1, window_bounds = array<i64: 400, 128>}, {transform_indices = @transform_2, window_bounds = array<i64: 400, 1>}, {pipeline_mode = #tpu.pipeline_mode<synchronous>, transform_indices = @transform_3, window_bounds = array<i64: 128, 64>}, {pipeline_mode = #tpu.pipeline_mode<synchronous>, transform_indices = @transform_4, window_bounds = array<i64: 1, 64>}, {transform_indices = @transform_5, window_bounds = array<i64: 400, 64>}]} {
    %get3A = arith.constant 0 : index
    %get3A_0 = arith.constant 0 : index
    %get3A_1 = vector.load %arg3[%get3A, %get3A_0] : memref<400x1xf32, #tpu.memory_space<vmem>>, vector<400x1xf32>
    %get3A_2 = arith.constant 0 : index
    %get3A_3 = arith.constant 0 : index
    %get3A_4 = arith.constant 0 : index
    %get3A_5 = vector.load %arg1[%get3A_2, %get3A_3, %get3A_4] : memref<2x400x128xf32, #tpu.memory_space<vmem>>, vector<1x400x128xf32>
    %get3A_6 = vector.shape_cast %get3A_5 : vector<1x400x128xf32> to vector<400x128xf32>
    %get3A_7 = arith.constant 1 : index
    %get3A_8 = arith.constant 0 : index
    %get3A_9 = arith.constant 0 : index
    %get3A_10 = vector.load %arg1[%get3A_7, %get3A_8, %get3A_9] : memref<2x400x128xf32, #tpu.memory_space<vmem>>, vector<1x400x128xf32>
    %get3A_11 = vector.shape_cast %get3A_10 : vector<1x400x128xf32> to vector<400x128xf32>
    %add3A = arith.addf %get3A_6, %get3A_11 : vector<400x128xf32>
    %mul3A = vector.broadcast %get3A_1 : vector<400x1xf32> to vector<400x128xf32>
    %mul3A_12 = arith.mulf %mul3A, %add3A : vector<400x128xf32>
    %get3A_13 = arith.constant 0 : index
    %get3A_14 = arith.constant 0 : index
    %get3A_15 = vector.load %arg2[%get3A_13, %get3A_14] : memref<400x128xf32, #tpu.memory_space<vmem>>, vector<400x128xf32>
    %add3A_16 = arith.addf %mul3A_12, %get3A_15 : vector<400x128xf32>
    %max3A = arith.constant 0.000000e+00 : f32
    %max3A_17 = vector.broadcast %max3A : f32 to vector<400x128xf32>
    %max3A_18 = arith.maximumf %add3A_16, %max3A_17 : vector<400x128xf32>
    %get3A_19 = arith.constant 0 : index
    %get3A_20 = arith.constant 0 : index
    %get3A_21 = vector.load %arg4[%get3A_19, %get3A_20] : memref<128x64xf32, #tpu.memory_space<vmem>>, vector<128x64xf32>
    %dot_general3A = arith.constant dense<0.000000e+00> : vector<400x64xf32>
    %dot_general3A_22 = tpu.matmul %max3A_18, %get3A_21, %dot_general3A {dimension_numbers = #tpu.dot_dimension_numbers<[1], [0], [0], [1], [0, 0, 1, 1], [], []>, transpose_lhs_hint = false} : vector<400x128xf32>, vector<128x64xf32>, vector<400x64xf32> -> vector<400x64xf32>
    %get3A_23 = arith.constant 0 : index
    %get3A_24 = arith.constant 0 : index
    %get3A_25 = vector.load %arg5[%get3A_23, %get3A_24] : memref<1x64xf32, #tpu.memory_space<vmem>>, vector<1x64xf32>
    %add3A_26 = vector.broadcast %get3A_25 : vector<1x64xf32> to vector<400x64xf32>
    %add3A_27 = arith.addf %dot_general3A_22, %add3A_26 : vector<400x64xf32>
    %swap3A = arith.constant 0 : index
    %swap3A_28 = arith.constant 0 : index
    %swap3A_29 = vector.load %arg6[%swap3A, %swap3A_28] : memref<400x64xf32, #tpu.memory_space<vmem>>, vector<400x64xf32>
    tpu.vector_store %arg6[%swap3A, %swap3A_28], %add3A_27 {strides = array<i32>} : memref<400x64xf32, #tpu.memory_space<vmem>>, vector<400x64xf32>,
    return
  }
  func.func @transform_0(%arg0: i32) -> (i32, i32, i32) {
    %c0_i32 = arith.constant 0 : i32
    %c0_i32_0 = arith.constant 0 : i32
    %c0_i32_1 = arith.constant 0 : i32
    return %c0_i32, %arg0, %c0_i32_0 : i32, i32, i32
  }
  func.func @transform_1(%arg0: i32) -> (i32, i32) {
    %c0_i32 = arith.constant 0 : i32
    %c0_i32_0 = arith.constant 0 : i32
    return %arg0, %c0_i32 : i32, i32
  }
  func.func @transform_2(%arg0: i32) -> (i32, i32) {
    %c0_i32 = arith.constant 0 : i32
    %c0_i32_0 = arith.constant 0 : i32
    return %arg0, %c0_i32 : i32, i32
  }
  func.func @transform_3(%arg0: i32) -> (i32, i32) {
    %c0_i32 = arith.constant 0 : i32
    %c0_i32_0 = arith.constant 0 : i32
    %c0_i32_1 = arith.constant 0 : i32
    return %c0_i32, %c0_i32_0 : i32, i32
  }
  func.func @transform_4(%arg0: i32) -> (i32, i32) {
    %c0_i32 = arith.constant 0 : i32
    %c0_i32_0 = arith.constant 0 : i32
    %c0_i32_1 = arith.constant 0 : i32
    return %c0_i32, %c0_i32_0 : i32, i32
  }
  func.func @transform_5(%arg0: i32) -> (i32, i32) {
    %c0_i32 = arith.constant 0 : i32
    %c0_i32_0 = arith.constant 0 : i32
    return %arg0, %c0_i32 : i32, i32
  }
}

</mosaic_0001>

<sc_bundles>
// kernel: kernel.11.cloned.1.call-start
scs
__scs_entry_jumppad:
0x0: {  	(pc) =	sbr.rel $0x88, $3  }
0x1: {  	(tag) =	ssettag $0x0;
	lr =	simm.s32 $0x1  }
0x2: {  	[smem:$0x3F99] =	sst lr;
	_ =	strace $0xD0000000  }
0x3: {  	_ = 	snop  }
0x4: {  	_ = 	snop  }
0x5: {  	_ = 	snop  }
0x6: {  	_ = 	snop  }
0x7: {  	_ = 	snop  }
__scs_overlays_trampoline_lowered:
0x8: {  	[smem:$0x3FA8] =	sst s0  }
0x9: {  	[smem:$0x3FA9] =	sst s1  }
0xa: {  	[smem:$0x3FAA] =	sst s2  }
0xb: {  	[smem:$0x3FAB] =	sst s3  }
0xc: {  	[smem:$0x3FAC] =	sst s4  }
0xd: {  	[smem:$0x3FAD] =	sst s5  }
0xe: {  	[smem:$0x3FAE] =	sst s6  }
0xf: {  	[smem:$0x3FAF] =	sst s7  }
0x10: {  	[smem:$0x3FB0] =	sst s8  }
0x11: {  	[smem:$0x3FB1] =	sst s9;
	s0 =	simm.s32 @!p0 $0x0  }
0x12: {  	s1 =	sld [smem:$0x3F97];
	s0 =	simm.s32 @p0 $0x1  }
0x13: {  	[smem:$0x3FB2] =	sst s0;
	s0 =	simm.s32 @!p1 $0x0  }
0x14: {  	s2 =	sld [smem:$0x3F96];
	s0 =	simm.s32 @p1 $0x1  }
0x15: {  	[smem:$0x3FB3] =	sst s0;
	s0 =	simm.s32 @!p2 $0x0  }
0x16: {  	s3 =	sld [smem:$0x3FDB];
	s0 =	simm.s32 @p2 $0x1  }
0x17: {  	s4 =	simm.s32 $0x1BF5;
	[smem:$0x3FB5] =	sst s0  }
0x18: {  	s0 =	sld [smem:$0x3F98];
	_ =	swait.ge [sflag:s4], $0x0  }
0x19: {  	s7 =	sld [smem:$0x3F99]  }
0x1a: {  	s8 =	sadd.s32 $0xFFFFE003, lr  }
0x1b: {  	s9 =	sadd.s32 $0xFFFFFEF7, lr;
	s5 =	simm.s32 $0xFFFFFFFF;
	p2 =	slt.u32 s8, $0xFFFFF086  }
0x1c: {  	p1 =	slt.u32 s9, $0xF7A;
	s5 =	simm.s32 @!p2 $0x0  }
0x1d: {  	s5 =	simm.s32 @p1 $0x1;
	p0 =	seq.s32 s7, s2  }
0x1e: {  	s7 =	smul.u32 @!p0 $0xF7A, s2;
	p2 =	seq.s32 @!p0 s5, $0x0  }
0x1f: {  	s9 =	smul.u32 $0xF7A, s1;
	s8 =	simm.s32 @!p0 $0x1BF5;
	p2 =	por !p2, p0  }
0x20: {  	[sflag:s8] =	ssyncset.s32 @!p0 $0xFFFFF086;
	s6 =	sadd.s32 @!p0 s3, s7;
	s7 =	simm.s32 @!p0 $0x108  }
0x21: {  	s3 =	sadd.s32 s3, s9;
	s6 =	sadd.s32 @!p0 $0x88, s6;
	s7 =	simm.s32 @p2 $0x1082  }
0x22: {  	[simem:s7], [sflag:s8] =	dma.local @!p0 [hbm:s6], $0xF7A  }
0x23: {  	s9 =	sor.u32 $0xD0000000, s2;
	s6 =	simm.s32 $0x108;
	_ =	swait.ge @!p0 [sflag:s8], $0x0  }
0x24: {  	s3 =	sadd.s32 $0x88, s3;
	s6 =	simm.s32 @!p1 $0x1082;
	[sflag:s4] =	ssyncset.s32 $0xFFFFF086  }
0x25: {  	[simem:s6], [sflag:s4] =	dma.local [hbm:s3], $0xF7A  }
0x26: {  	[smem:$0x3F99] =	sst s1;
	(tag) =	ssettag s2;
	_ =	strace s9  }
0x27: {  	s1 =	sld [smem:$0x3FA9]  }
0x28: {  	s2 =	sld [smem:$0x3FAA]  }
0x29: {  	s4 =	sld [smem:$0x3FAC]  }
0x2a: {  	p0 =	seq.s32 s5, $0x0;
	s5 =	sld [smem:$0x3FAD]  }
0x2b: {  	s6 =	sld [smem:$0x3FAE]  }
0x2c: {  	s7 =	sld [smem:$0x3FAF]  }
0x2d: {  	s3 =	simm.s32 $0x108;
	s8 =	sld [smem:$0x3FB0]  }
0x2e: {  	s3 =	simm.s32 @!p0 $0x1082;
	s9 =	sld [smem:$0x3FB1]  }
0x2f: {  	lr =	sadd.s32 s0, s3;
	s0 =	sld [smem:$0x3FA8]  }
0x30: {  	s3 =	sld [smem:$0x3FAB]  }
0x31: {  	[smem:$0x3FB4] =	sst s10  }
0x32: {  	s10 =	sld [smem:$0x3FB2];
	_ =	sdelay $0x3  }
0x33: {  	p0 =	seq.s32 s10, $0x1;
	s10 =	sld [smem:$0x3FB4];
	_ =	sdelay $0x3  }
0x34: {  	[smem:$0x3FB4] =	sst s10  }
0x35: {  	s10 =	sld [smem:$0x3FB3];
	_ =	sdelay $0x3  }
0x36: {  	p1 =	seq.s32 s10, $0x1;
	s10 =	sld [smem:$0x3FB4];
	_ =	sdelay $0x3  }
0x37: {  	[smem:$0x3FB4] =	sst s10  }
0x38: {  	s10 =	sld [smem:$0x3FB5]  }
0x39: {  	_ = 	snop;
	(pc) =	sbr.ind lr, $3  }
0x3a: {  	_ = 	snop  }
0x3b: {  	_ = 	snop  }
0x3c: {  	p2 =	seq.s32 s10, $0x1;
	s10 =	sld [smem:$0x3FB4]  }
0x3d: {  	_ =	shalt  }
0x3e: {  	_ =	shalt  }
0x3f: {  	_ =	shalt  }
0x40: {  	_ =	shalt  }
0x41: {  	_ =	shalt  }
0x42: {  	_ =	shalt  }
0x43: {  	_ =	shalt  }
0x44: {  	_ =	shalt  }
0x45: {  	_ =	shalt  }
0x46: {  	_ =	shalt  }
0x47: {  	_ =	shalt  }
0x48: {  	_ =	shalt  }
0x49: {  	_ =	shalt  }
0x4a: {  	_ =	shalt  }
0x4b: {  	_ =	shalt  }
0x4c: {  	_ =	shalt  }
0x4d: {  	_ =	shalt  }
0x4e: {  	_ =	shalt  }
0x4f: {  	_ =	shalt  }
0x50: {  	_ =	shalt  }
0x51: {  	_ =	shalt  }
0x52: {  	_ =	shalt  }
0x53: {  	_ =	shalt  }
0x54: {  	_ =	shalt  }
0x55: {  	_ =	shalt  }
0x56: {  	_ =	shalt  }
0x57: {  	_ =	shalt  }
0x58: {  	_ =	shalt  }
0x59: {  	_ =	shalt  }
0x5a: {  	_ =	shalt  }
0x5b: {  	_ =	shalt  }
0x5c: {  	_ =	shalt  }
0x5d: {  	_ =	shalt  }
0x5e: {  	_ =	shalt  }
0x5f: {  	_ =	shalt  }
0x60: {  	_ =	shalt  }
0x61: {  	_ =	shalt  }
0x62: {  	_ =	shalt  }
0x63: {  	_ =	shalt  }
0x64: {  	_ =	shalt  }
0x65: {  	_ =	shalt  }
0x66: {  	_ =	shalt  }
0x67: {  	_ =	shalt  }
0x68: {  	_ =	shalt  }
0x69: {  	_ =	shalt  }
0x6a: {  	_ =	shalt  }
0x6b: {  	_ =	shalt  }
0x6c: {  	_ =	shalt  }
0x6d: {  	_ =	shalt  }
0x6e: {  	_ =	shalt  }
0x6f: {  	_ =	shalt  }
0x70: {  	_ =	shalt  }
0x71: {  	_ =	shalt  }
0x72: {  	_ =	shalt  }
0x73: {  	_ =	shalt  }
0x74: {  	_ =	shalt  }
0x75: {  	_ =	shalt  }
0x76: {  	_ =	shalt  }
0x77: {  	_ =	shalt  }
0x78: {  	_ =	shalt  }
0x79: {  	_ =	shalt  }
0x7a: {  	_ =	shalt  }
0x7b: {  	_ =	shalt  }
0x7c: {  	_ =	shalt  }
0x7d: {  	_ =	shalt  }
0x7e: {  	_ =	shalt  }
0x7f: {  	_ =	shalt  }
0x80: {  	_ =	shalt  }
0x81: {  	_ =	shalt  }
0x82: {  	_ =	shalt  }
0x83: {  	_ =	shalt  }
0x84: {  	_ =	shalt  }
0x85: {  	_ =	shalt  }
0x86: {  	_ =	shalt  }
0x87: {  	_ =	shalt  }
.Lfunc_end0:
.L_simem_size_0:
called_computation.1_lowered:
.L_overlay_start_0:
0x88: {  	s2 =	sld [smem:$0x3FD9]  }
0x89: {  	s3 =	sld [smem:$0x3FFE];
	_ =	sdelay $0x1  }
0x8a: {  	s1 =	srdreg.scid  }
0x8b: {  	s0 =	sand.u32 $0x1, s1  }
0x8c: {  	s16 =	sshll.u32 s0, $0xA;
	s2 =	sadd.s32 s3, s2  }
0x8d: {  	s2 =	sadd.s32 s2, s16  }
0x8e: {  	[smem:$0x3FC0] =	sst s2  }
0x8f: {  	_ = 	snop  }
0x90: {  	(tm) =	ssettm $0x1  }
0x91: {  	s17 =	sld [smem:$0x3FFB];
	_ =	sdelay $0x3  }
0x92: {  	_ =	strace s17  }
0x93: {  	s2 =	sld [smem:$0x3FFC];
	_ =	sdelay $0x3  }
0x94: {  	_ =	strace s2  }
0x95: {  	s2 =	sld [smem:$0x3FFD];
	_ =	sdelay $0x3  }
0x96: {  	_ =	strace s2  }
0x97: {  	_ =	strace $0x8FFFFFFF  }
0x98: {  	s18 =	sld [smem:$0x3FDB];
	_ =	sdelay $0x1  }
0x99: {  	s19 =	simm.s32 $_scs_section_size  }
0x9a: {  	s4 =	simm.s32 $_size__tile_overlayer_lowered;
	s5 =	simm.s32 $_tile_overlayer_lowered  }
0x9b: {  	s22 =	simm.s32 $0x1BFF;
	s21 =	sshll.u32 s5, $0x1;
	s2 =	sadd.s32 s19, s18  }
0x9c: {  	s6 =	simm.s32 $0x0;
	s20 =	sshll.u32 s4, $0x1;
	s4 =	sadd.s32 s21, s2  }
0x9d: {  	[timem:s6], [sflag:s22] =	dma.local [hbm:s4], s20  }
0x9e: {  	_ =	swait.ge [sflag:s22], s20  }
0x9f: {  	s3 =	ssub.s32 $0x0, s20;
	[sflag:s22] =	ssyncset.done $0x0  }
0xa0: {  	[sflag:s22] =	ssyncadd.s32 s3;
	_ =	sdelay $0x1  }
0xa1: {  	s23 =	simm.s32 $0x1B8B  }
0xa2: {  	_ =	swait.ge [sflag:s23], $0x1  }
0xa3: {  	[sflag:s23] =	ssyncset.done $0x0  }
0xa4: {  	s25 =	simm.s32 $0x1B8E;
	s24 =	sld [smem:$0x3FFE];
	[sflag:s23] =	ssyncadd.s32 $0xFFFFFFFF  }
0xa5: {  	s26 =	simm.s32 $execute0_lowered;
	[smem:$0x3FD2] =	sst s25  }
0xa6: {  	s4 =	sshll.u32 s26, $0x1;
	_ =	strace $0x80000049;
	[dreg:$0x1] =	wrdreg $0xFFFFFFFF  }
0xa7: {  	s28 =	simm.s32 $_size_execute0_lowered;
	s2 =	sadd.s32 s2, s4;
	[dreg:$0x0] =	wrdreg $0x0  }
0xa8: {  	s4 =	sshll.u32 s28, $0x1;
	[dreg:$0x2] =	wrdreg s2  }
0xa9: {  	[dreg:$0x3] =	wrdreg s4  }
0xaa: {  	[dreg:$0x4] =	wrdreg $0xC0  }
0xab: {  	_ =	task [dreg:s6], $0x5FFFF  }
0xac: {  	[dreg:$0x1] =	wrdreg $0xFFFFFFFF  }
0xad: {  	[dreg:$0x0] =	wrdreg $0x60  }
0xae: {  	[dreg:$0x2] =	wrdreg s24  }
0xaf: {  	[dreg:$0x3] =	wrdreg $0x0  }
0xb0: {  	[dreg:$0x4] =	wrdreg $0x9  }
0xb1: {  	_ =	task.clear_ibuf [dreg:s6], $0x5FFFF;
	_ =	strace $0x90000049  }
0xb2: {  	s29 =	simm.s32 $0x9;
	_ =	strace $0x8000004B  }
0xb3: {  	_ =	swait.ge [sflag:s29], $0x1  }
0xb4: {  	[sflag:s29] =	ssyncadd.s32 $0xFFFFFFFF  }
0xb5: {  	_ =	strace $0x9000004B  }
0xb6: {  	_ =	sfence  }
0xb7: {  	s30 =	sld [smem:$0x0];
	_ =	sdelay $0x2  }
0xb8: {  	s31 =	sshll.u32 s1, $0xD;
	s1 =	sshrl.u32 s1, $0x2  }
0xb9: {  	s3 =	sand.u32 $0x4000, s31;
	s1 =	sadd.s32 s1, s30  }
0xba: {  	s0 =	sor.u32 s3, s0;
	s1 =	sshll.u32 s1, $0x11  }
0xbb: {  	s0 =	sor.u32 s1, s0  }
0xbc: {  	s0 =	sadd.s32 $0x8F2B, s0  }
0xbd: {  	[sflag:s0] =	ssyncadd.remote.s32 $0x1  }
0xbe: {  	_ =	sfence.sel $0xFFFF  }
0xbf: {  	[dreg:$0x0] =	wrdreg $0xFFFFFFFF;
	(pc) =	sbr.abs _section_cstart, $3  }
0xc0: {  	[dreg:$0x1] =	wrdreg $0xFFFFFFFF  }
0xc1: {  	_ =	task.clear_ibuf [dreg:s6], $0x2FFFF;
	_ =	strace $0x9FFFFFFF  }
0xc2: {  	(tm) =	ssettm $0x7FFFFFFF  }
0xc3: {  	_ =	shalt  }
tec
execute0_lowered:
.L_overlay_start_1:
0x0: {  	(tag) =	ssettag $0x1  }
0x1: {  	s8 =	rddreg [dreg:$0x0]  }
0x2: {  	s1 =	rddreg [dreg:$0x1]  }
0x3: {  	s2 =	srdreg.scid;
	s0 =	rddreg [dreg:$0x2]  }
0x4: {  	s3 =	simm.s32 $0x0;
	s15 =	simm.s32 $0x13C00;
	s16 =	simm.s32 $0x13C80  }
0x5: {  	s17 =	simm.s32 $0x80;
	s18 =	simm.s32 $0x13D00;
	s19 =	simm.s32 $0x1  }
0x6: {  	s20 =	simm.s32 $0x0;
	s12 =	sand.u32 $0x1, s2;
	s2 =	stileid.u32  }
0x7: {  	[smem:$0x7FF] =	sst s3;
	s4 =	sadd.s32 $0x18600, s8;
	s7 =	smul.u32 $0x13C000, s12  }
0x8: {  	s5 =	sadd.s32 $0x2200, s8;
	s6 =	sadd.s32 $0xC000, s8;
	s9 =	smul.u32 $0x13C00, s2  }
0x9: {  	_ =	strace $0x8000004A;
	s24 =	ssub.s32 $0x2, s12;
	s13 =	smul.u32 $0x4F000, s2  }
0xa: {  	s25 =	sshll.u32 s12, $0x4;
	s28 =	sshll.u32 s2, $0x6;
	s12 =	sshll.u32 s12, $0xB  }
0xb: {  	s31 =	sshll.u32 s2, $0x7;
	s11 =	sshrl.u32 s24, $0x1;
	s29 =	sor.u32 s25, s2  }
0xc: {  	s12 =	sor.u32 s31, s12;
	s7 =	sadd.s32 s9, s7;
	s11 =	ssub.s32 s24, s11  }
0xd: {  	s26 =	sshrl.u32 s13, $0x2;
	s30 =	ssub.s32 $0x9E3, s29;
	s10 =	sshrl.u32 s7, $0x3  }
0xe: {  	s7 =	sadd.s32 $0x15E00, s8;
	s14 =	sadd.s32 s26, s1;
	s10 =	sadd.s32 s10, s8  }
0xf: {  	s8 =	sor.u32 $0x1C02, s28;
	s13 =	sshrl.u32 s14, $0x3;
	s14 =	simm.s32 $0x2  }
0x10: {  	s9 =	sadd.s32 $0x3F800, s10;
	s10 =	smax.u32 s11, $0x1;
	s11 =	sshrl.u32 s30, $0x5  }
.LBB2_1:
0x11: {  	[spmem:s13], [sflag:s8] =	dma.local [hbm:s7], $0x2780  }
0x12: {  	p1 =	sne.s32 s11, $0x1  }
.Ltmp0:
0x13: {  	_ =	swait.ge [sflag:s14], $0x2780;
	(pc) =	sbr.rel @!p1 .LBB2_4-.Ltmp0, $4  }
0x14: {  	[sflag:s14] =	ssyncset.done $0x0  }
0x15: {  	[sflag:s14] =	ssyncadd.s32 $0xFFFFD880  }
0x16: {  	[bflag:$0x0] =	sbarrier.arrive $0xFFFF  }
0x17: {  	s21 =	sadd.s32 $0xFFFFFFFF, s11;
	s23 =	sshrl.u32 s12, $0x3;
	p0 =	por $0x0, $0x0  }
0x18: {  	s22 =	sadd.s32 s5, s23  }
0x19: {  	[tilespmem:s15], [sflag:$0x2] =	stream.linear.gather [hbm4b:s22+s3], $0x80, $0x38;
	[tilespmem:$0x17D00] =	vst v63  }
0x1a: {  	_ =	swait.ge [sflag:s14], $0x80  }
0x1b: {  	[sflag:s14] =	ssyncset.done $0x0  }
0x1c: {  	s31 =	sadd.s32 s6, s23;
	[sflag:s14] =	ssyncadd.s32 $0xFFFFFF80  }
0x1d: {  	[tilespmem:s16], [sflag:$0x2] =	stream.linear.gather [hbm4b:s31+s3], $0x80, $0x38;
	[tilespmem:$0x17D00] =	vst v63  }
0x1e: {  	_ =	swait.ge [sflag:s14], $0x80  }
0x1f: {  	[sflag:s14] =	ssyncset.done $0x0  }
0x20: {  	[sflag:s14] =	ssyncadd.s32 $0xFFFFFF80  }
0x21: {  	[tilespmem:s18], [sflag:$0x1] =	stream.indirect.gather [hbm4b:s4+s17], $0x80, s15, s17, $0xb8;
	[tilespmem:$0x17D00] =	vst v63  }
0x22: {  	p1 =	sne.s32 s21, $0x1;
	_ =	swait.ge [sflag:s19], $0x4000  }
.Ltmp1:
0x23: {  	[sflag:s19] =	ssyncset.done $0x0;
	(pc) =	sbr.rel @!p1 .LBB2_4-.Ltmp1, $4  }
0x24: {  	[sflag:s19] =	ssyncadd.s32 $0xFFFFC000  }
0x25: {  	[spmem:s1] =	stream.indirect.scatter.add.f32 [tilespmem:s18], [sflag:$0x2], $0x80, s16, s17, $0xb8;
	[tilespmem:$0x17D00] =	vst v63  }
0x26: {  	s21 =	sadd.s32 $0xFFFFFFFF, s21;
	s22 =	sadd.s32 $0x1000, s12;
	_ =	swait.ge [sflag:s14], $0x4000  }
0x27: {  	p0 =	por $0x1, $0x1;
	s23 =	sshrl.u32 s22, $0x3;
	[sflag:s14] =	ssyncset.done $0x0  }
.LBB2_3:
0x28: {  	p1 =	sne.s32 s21, $0x1;
	s24 =	sadd.s32 s5, s23;
	[sflag:s14] =	ssyncadd.s32 $0xFFFFC000  }
0x29: {  	[tilespmem:s15], [sflag:$0x2] =	stream.linear.gather [hbm4b:s24+s3], $0x80, $0x38;
	[tilespmem:$0x17D00] =	vst v63  }
0x2a: {  	s21 =	sadd.s32 $0xFFFFFFFF, s21;
	_ =	swait.ge [sflag:s14], $0x80  }
0x2b: {  	[sflag:s14] =	ssyncset.done $0x0  }
0x2c: {  	s23 =	sadd.s32 s6, s23;
	[sflag:s14] =	ssyncadd.s32 $0xFFFFFF80  }
0x2d: {  	[tilespmem:s16], [sflag:$0x2] =	stream.linear.gather [hbm4b:s23+s3], $0x80, $0x38;
	[tilespmem:$0x17D00] =	vst v63  }
0x2e: {  	_ =	swait.ge [sflag:s14], $0x80  }
0x2f: {  	[sflag:s14] =	ssyncset.done $0x0  }
0x30: {  	[sflag:s14] =	ssyncadd.s32 $0xFFFFFF80  }
0x31: {  	[tilespmem:s18], [sflag:$0x1] =	stream.indirect.gather [hbm4b:s4+s17], $0x80, s15, s17, $0xb8;
	[tilespmem:$0x17D00] =	vst v63  }
0x32: {  	_ =	swait.ge [sflag:s19], $0x4000  }
.Ltmp2:
0x33: {  	[sflag:s19] =	ssyncset.done $0x0;
	(pc) =	sbr.rel @p1 .LBB2_3-.Ltmp2, $4  }
0x34: {  	[sflag:s19] =	ssyncadd.s32 $0xFFFFC000  }
0x35: {  	[spmem:s1] =	stream.indirect.scatter.add.f32 [tilespmem:s18], [sflag:$0x2], $0x80, s16, s17, $0xb8;
	[tilespmem:$0x17D00] =	vst v63  }
0x36: {  	s22 =	sadd.s32 $0x1000, s22;
	_ =	swait.ge [sflag:s14], $0x4000  }
0x37: {  	s23 =	sshrl.u32 s22, $0x3;
	[sflag:s14] =	ssyncset.done $0x0  }
.LBB2_4:
0x38: {  	s21 =	sadd.s32 s5, s23;
	[sflag:s14] =	ssyncadd.s32 @p0 $0xFFFFC000  }
0x39: {  	[tilespmem:s15], [sflag:$0x2] =	stream.linear.gather [hbm4b:s21+s3], $0x80, $0x38;
	[tilespmem:$0x17D00] =	vst v63  }
0x3a: {  	_ =	swait.ge [sflag:s14], $0x80  }
0x3b: {  	[sflag:s14] =	ssyncset.done $0x0  }
0x3c: {  	s31 =	sadd.s32 s6, s23;
	[sflag:s14] =	ssyncadd.s32 $0xFFFFFF80  }
0x3d: {  	[tilespmem:s16], [sflag:$0x2] =	stream.linear.gather [hbm4b:s31+s3], $0x80, $0x38;
	[tilespmem:$0x17D00] =	vst v63  }
0x3e: {  	_ =	swait.ge [sflag:s14], $0x80  }
0x3f: {  	[sflag:s14] =	ssyncset.done $0x0  }
0x40: {  	[sflag:s14] =	ssyncadd.s32 $0xFFFFFF80  }
0x41: {  	[tilespmem:s18], [sflag:$0x1] =	stream.indirect.gather [hbm4b:s4+s17], $0x80, s15, s17, $0xb8;
	[tilespmem:$0x17D00] =	vst v63  }
0x42: {  	_ =	swait.ge [sflag:s19], $0x4000  }
0x43: {  	[sflag:s19] =	ssyncset.done $0x0  }
0x44: {  	[sflag:s19] =	ssyncadd.s32 $0xFFFFC000  }
0x45: {  	[spmem:s1] =	stream.indirect.scatter.add.f32 [tilespmem:s18], [sflag:$0x2], $0x80, s16, s17, $0xb8;
	[tilespmem:$0x17D00] =	vst v63  }
0x46: {  	_ =	swait.ge [sflag:s14], $0x4000  }
0x47: {  	s20 =	sadd.s32 $0x1, s20;
	[sflag:s14] =	ssyncset.done $0x0  }
0x48: {  	p0 =	sne.s32 s20, s10;
	[sflag:s14] =	ssyncadd.s32 $0xFFFFC000  }
.Ltmp3:
0x49: {  	[bflag:$0x0] =	sbarrier.arrive $0xFFFF;
	(pc) =	sbr.rel @p0 .LBB2_1-.Ltmp3, $4  }
0x4a: {  	[hbm:s9], [sflag:s8] =	dma.local [spmem:s13], $0x2780  }
0x4b: {  	_ =	swait.ge [sflag:s14], $0x2780  }
0x4c: {  	[sflag:s14] =	ssyncset.done $0x0  }
0x4d: {  	[sflag:s14] =	ssyncadd.s32 $0xFFFFD880  }
0x4e: {  	_ =	sfence.sel $0x180000  }
0x4f: {  	[bflag:$0x0] =	sbarrier.arrive $0xFFFF  }
0x50: {  	p0 =	sne.s32 s2, $0x0;
	_ =	strace $0x9000004A  }
0x51: {  	s0 =	sadd.s32 @!p0 $0x100000, s0;
	[bflag:$0x2] =	sbarrier.arrive $0xFFFF  }
0x52: {  	[sflag:s0] =	ssyncadd.tile.s32 @!p0 $0x1;
	_ =	shalt  }
.Lfunc_end2:
_tile_overlayer_lowered:
.L_overlay_start_2:
0x53: {  	(tag) =	ssettag $0x2  }
0x54: {  	s0 =	rddreg [dreg:$0x0];
	s2 =	stileid.u32  }
0x55: {  	s1 =	rddreg [dreg:$0x1];
	p0 =	sne.s32 s2, $0x0  }
0x56: {  	s3 =	rddreg [dreg:$0x2];
	[bflag:$0x3] =	sbarrier.arrive $0xFFFF;
	s2 =	simm.s32 @!p0 $0x1C02  }
0x57: {  	[timem:s3], [sflag:s2] =	dma.local @!p0 [hbm:s0], s1  }
0x58: {  	s0 =	simm.s32 @!p0 $0x2  }
0x59: {  	_ =	swait.ge @!p0 [sflag:s0], s1  }
0x5a: {  	s1 =	ssub.s32 @!p0 $0x0, s1;
	[sflag:s0] =	ssyncset.done @!p0 $0x0  }
0x5b: {  	[sflag:s0] =	ssyncadd.s32 @!p0 s1  }
0x5c: {  	[bflag:$0x3] =	sbarrier.arrive $0xFFFF  }
0x5d: {  	_ =	shalt  }

// kernel: kernel.14.cloned.1.call-start
scs
__scs_entry_jumppad:
0x0: {  	(pc) =	sbr.rel $0x88, $3  }
0x1: {  	(tag) =	ssettag $0x0;
	lr =	simm.s32 $0x1  }
0x2: {  	[smem:$0x3F99] =	sst lr;
	_ =	strace $0xD0000000  }
0x3: {  	_ = 	snop  }
0x4: {  	_ = 	snop  }
0x5: {  	_ = 	snop  }
0x6: {  	_ = 	snop  }
0x7: {  	_ = 	snop  }
__scs_overlays_trampoline_lowered:
0x8: {  	[smem:$0x3FA8] =	sst s0  }
0x9: {  	[smem:$0x3FA9] =	sst s1  }
0xa: {  	[smem:$0x3FAA] =	sst s2  }
0xb: {  	[smem:$0x3FAB] =	sst s3  }
0xc: {  	[smem:$0x3FAC] =	sst s4  }
0xd: {  	[smem:$0x3FAD] =	sst s5  }
0xe: {  	[smem:$0x3FAE] =	sst s6  }
0xf: {  	[smem:$0x3FAF] =	sst s7  }
0x10: {  	[smem:$0x3FB0] =	sst s8  }
0x11: {  	[smem:$0x3FB1] =	sst s9;
	s0 =	simm.s32 @!p0 $0x0  }
0x12: {  	s1 =	sld [smem:$0x3F97];
	s0 =	simm.s32 @p0 $0x1  }
0x13: {  	[smem:$0x3FB2] =	sst s0;
	s0 =	simm.s32 @!p1 $0x0  }
0x14: {  	s2 =	sld [smem:$0x3F96];
	s0 =	simm.s32 @p1 $0x1  }
0x15: {  	[smem:$0x3FB3] =	sst s0;
	s0 =	simm.s32 @!p2 $0x0  }
0x16: {  	s3 =	sld [smem:$0x3FDB];
	s0 =	simm.s32 @p2 $0x1  }
0x17: {  	s4 =	simm.s32 $0x1BF5;
	[smem:$0x3FB5] =	sst s0  }
0x18: {  	s0 =	sld [smem:$0x3F98];
	_ =	swait.ge [sflag:s4], $0x0  }
0x19: {  	s7 =	sld [smem:$0x3F99]  }
0x1a: {  	s8 =	sadd.s32 $0xFFFFE003, lr  }
0x1b: {  	s9 =	sadd.s32 $0xFFFFFEF7, lr;
	s5 =	simm.s32 $0xFFFFFFFF;
	p2 =	slt.u32 s8, $0xFFFFF086  }
0x1c: {  	p1 =	slt.u32 s9, $0xF7A;
	s5 =	simm.s32 @!p2 $0x0  }
0x1d: {  	s5 =	simm.s32 @p1 $0x1;
	p0 =	seq.s32 s7, s2  }
0x1e: {  	s7 =	smul.u32 @!p0 $0xF7A, s2;
	p2 =	seq.s32 @!p0 s5, $0x0  }
0x1f: {  	s9 =	smul.u32 $0xF7A, s1;
	s8 =	simm.s32 @!p0 $0x1BF5;
	p2 =	por !p2, p0  }
0x20: {  	[sflag:s8] =	ssyncset.s32 @!p0 $0xFFFFF086;
	s6 =	sadd.s32 @!p0 s3, s7;
	s7 =	simm.s32 @!p0 $0x108  }
0x21: {  	s3 =	sadd.s32 s3, s9;
	s6 =	sadd.s32 @!p0 $0x88, s6;
	s7 =	simm.s32 @p2 $0x1082  }
0x22: {  	[simem:s7], [sflag:s8] =	dma.local @!p0 [hbm:s6], $0xF7A  }
0x23: {  	s9 =	sor.u32 $0xD0000000, s2;
	s6 =	simm.s32 $0x108;
	_ =	swait.ge @!p0 [sflag:s8], $0x0  }
0x24: {  	s3 =	sadd.s32 $0x88, s3;
	s6 =	simm.s32 @!p1 $0x1082;
	[sflag:s4] =	ssyncset.s32 $0xFFFFF086  }
0x25: {  	[simem:s6], [sflag:s4] =	dma.local [hbm:s3], $0xF7A  }
0x26: {  	[smem:$0x3F99] =	sst s1;
	(tag) =	ssettag s2;
	_ =	strace s9  }
0x27: {  	s1 =	sld [smem:$0x3FA9]  }
0x28: {  	s2 =	sld [smem:$0x3FAA]  }
0x29: {  	s4 =	sld [smem:$0x3FAC]  }
0x2a: {  	p0 =	seq.s32 s5, $0x0;
	s5 =	sld [smem:$0x3FAD]  }
0x2b: {  	s6 =	sld [smem:$0x3FAE]  }
0x2c: {  	s7 =	sld [smem:$0x3FAF]  }
0x2d: {  	s3 =	simm.s32 $0x108;
	s8 =	sld [smem:$0x3FB0]  }
0x2e: {  	s3 =	simm.s32 @!p0 $0x1082;
	s9 =	sld [smem:$0x3FB1]  }
0x2f: {  	lr =	sadd.s32 s0, s3;
	s0 =	sld [smem:$0x3FA8]  }
0x30: {  	s3 =	sld [smem:$0x3FAB]  }
0x31: {  	[smem:$0x3FB4] =	sst s10  }
0x32: {  	s10 =	sld [smem:$0x3FB2];
	_ =	sdelay $0x3  }
0x33: {  	p0 =	seq.s32 s10, $0x1;
	s10 =	sld [smem:$0x3FB4];
	_ =	sdelay $0x3  }
0x34: {  	[smem:$0x3FB4] =	sst s10  }
0x35: {  	s10 =	sld [smem:$0x3FB3];
	_ =	sdelay $0x3  }
0x36: {  	p1 =	seq.s32 s10, $0x1;
	s10 =	sld [smem:$0x3FB4];
	_ =	sdelay $0x3  }
0x37: {  	[smem:$0x3FB4] =	sst s10  }
0x38: {  	s10 =	sld [smem:$0x3FB5]  }
0x39: {  	_ = 	snop;
	(pc) =	sbr.ind lr, $3  }
0x3a: {  	_ = 	snop  }
0x3b: {  	_ = 	snop  }
0x3c: {  	p2 =	seq.s32 s10, $0x1;
	s10 =	sld [smem:$0x3FB4]  }
0x3d: {  	_ =	shalt  }
0x3e: {  	_ =	shalt  }
0x3f: {  	_ =	shalt  }
0x40: {  	_ =	shalt  }
0x41: {  	_ =	shalt  }
0x42: {  	_ =	shalt  }
0x43: {  	_ =	shalt  }
0x44: {  	_ =	shalt  }
0x45: {  	_ =	shalt  }
0x46: {  	_ =	shalt  }
0x47: {  	_ =	shalt  }
0x48: {  	_ =	shalt  }
0x49: {  	_ =	shalt  }
0x4a: {  	_ =	shalt  }
0x4b: {  	_ =	shalt  }
0x4c: {  	_ =	shalt  }
0x4d: {  	_ =	shalt  }
0x4e: {  	_ =	shalt  }
0x4f: {  	_ =	shalt  }
0x50: {  	_ =	shalt  }
0x51: {  	_ =	shalt  }
0x52: {  	_ =	shalt  }
0x53: {  	_ =	shalt  }
0x54: {  	_ =	shalt  }
0x55: {  	_ =	shalt  }
0x56: {  	_ =	shalt  }
0x57: {  	_ =	shalt  }
0x58: {  	_ =	shalt  }
0x59: {  	_ =	shalt  }
0x5a: {  	_ =	shalt  }
0x5b: {  	_ =	shalt  }
0x5c: {  	_ =	shalt  }
0x5d: {  	_ =	shalt  }
0x5e: {  	_ =	shalt  }
0x5f: {  	_ =	shalt  }
0x60: {  	_ =	shalt  }
0x61: {  	_ =	shalt  }
0x62: {  	_ =	shalt  }
0x63: {  	_ =	shalt  }
0x64: {  	_ =	shalt  }
0x65: {  	_ =	shalt  }
0x66: {  	_ =	shalt  }
0x67: {  	_ =	shalt  }
0x68: {  	_ =	shalt  }
0x69: {  	_ =	shalt  }
0x6a: {  	_ =	shalt  }
0x6b: {  	_ =	shalt  }
0x6c: {  	_ =	shalt  }
0x6d: {  	_ =	shalt  }
0x6e: {  	_ =	shalt  }
0x6f: {  	_ =	shalt  }
0x70: {  	_ =	shalt  }
0x71: {  	_ =	shalt  }
0x72: {  	_ =	shalt  }
0x73: {  	_ =	shalt  }
0x74: {  	_ =	shalt  }
0x75: {  	_ =	shalt  }
0x76: {  	_ =	shalt  }
0x77: {  	_ =	shalt  }
0x78: {  	_ =	shalt  }
0x79: {  	_ =	shalt  }
0x7a: {  	_ =	shalt  }
0x7b: {  	_ =	shalt  }
0x7c: {  	_ =	shalt  }
0x7d: {  	_ =	shalt  }
0x7e: {  	_ =	shalt  }
0x7f: {  	_ =	shalt  }
0x80: {  	_ =	shalt  }
0x81: {  	_ =	shalt  }
0x82: {  	_ =	shalt  }
0x83: {  	_ =	shalt  }
0x84: {  	_ =	shalt  }
0x85: {  	_ =	shalt  }
0x86: {  	_ =	shalt  }
0x87: {  	_ =	shalt  }
.Lfunc_end0:
.L_simem_size_0:
called_computation.2_lowered:
.L_overlay_start_0:
0x88: {  	s2 =	sld [smem:$0x3FD9]  }
0x89: {  	s3 =	sld [smem:$0x3FFE];
	_ =	sdelay $0x1  }
0x8a: {  	s1 =	srdreg.scid  }
0x8b: {  	s0 =	sand.u32 $0x1, s1  }
0x8c: {  	s16 =	sshll.u32 s0, $0xA;
	s2 =	sadd.s32 s3, s2  }
0x8d: {  	s2 =	sadd.s32 s2, s16  }
0x8e: {  	[smem:$0x3FC0] =	sst s2  }
0x8f: {  	_ = 	snop  }
0x90: {  	(tm) =	ssettm $0x1  }
0x91: {  	s17 =	sld [smem:$0x3FFB];
	_ =	sdelay $0x3  }
0x92: {  	_ =	strace s17  }
0x93: {  	s2 =	sld [smem:$0x3FFC];
	_ =	sdelay $0x3  }
0x94: {  	_ =	strace s2  }
0x95: {  	s2 =	sld [smem:$0x3FFD];
	_ =	sdelay $0x3  }
0x96: {  	_ =	strace s2  }
0x97: {  	_ =	strace $0x8FFFFFFF  }
0x98: {  	s18 =	sld [smem:$0x3FDB];
	_ =	sdelay $0x1  }
0x99: {  	s19 =	simm.s32 $_scs_section_size  }
0x9a: {  	s4 =	simm.s32 $_size__tile_overlayer_lowered;
	s5 =	simm.s32 $_tile_overlayer_lowered  }
0x9b: {  	s22 =	simm.s32 $0x1BFF;
	s21 =	sshll.u32 s5, $0x1;
	s2 =	sadd.s32 s19, s18  }
0x9c: {  	s6 =	simm.s32 $0x0;
	s20 =	sshll.u32 s4, $0x1;
	s4 =	sadd.s32 s21, s2  }
0x9d: {  	[timem:s6], [sflag:s22] =	dma.local [hbm:s4], s20  }
0x9e: {  	_ =	swait.ge [sflag:s22], s20  }
0x9f: {  	s3 =	ssub.s32 $0x0, s20;
	[sflag:s22] =	ssyncset.done $0x0  }
0xa0: {  	[sflag:s22] =	ssyncadd.s32 s3;
	_ =	sdelay $0x1  }
0xa1: {  	s23 =	simm.s32 $0x1B8B  }
0xa2: {  	_ =	swait.ge [sflag:s23], $0x1  }
0xa3: {  	[sflag:s23] =	ssyncset.done $0x0  }
0xa4: {  	s25 =	simm.s32 $0x1B8E;
	s24 =	sld [smem:$0x3FFE];
	[sflag:s23] =	ssyncadd.s32 $0xFFFFFFFF  }
0xa5: {  	s26 =	simm.s32 $execute0_lowered;
	[smem:$0x3FD2] =	sst s25  }
0xa6: {  	s4 =	sshll.u32 s26, $0x1;
	_ =	strace $0x8000004C;
	[dreg:$0x1] =	wrdreg $0xFFFFFFFF  }
0xa7: {  	s28 =	simm.s32 $_size_execute0_lowered;
	s2 =	sadd.s32 s2, s4;
	[dreg:$0x0] =	wrdreg $0x0  }
0xa8: {  	s4 =	sshll.u32 s28, $0x1;
	[dreg:$0x2] =	wrdreg s2  }
0xa9: {  	[dreg:$0x3] =	wrdreg s4  }
0xaa: {  	[dreg:$0x4] =	wrdreg $0xC0  }
0xab: {  	_ =	task [dreg:s6], $0x5FFFF  }
0xac: {  	[dreg:$0x1] =	wrdreg $0xFFFFFFFF  }
0xad: {  	[dreg:$0x0] =	wrdreg $0x60  }
0xae: {  	[dreg:$0x2] =	wrdreg s24  }
0xaf: {  	[dreg:$0x3] =	wrdreg $0x0  }
0xb0: {  	[dreg:$0x4] =	wrdreg $0x9  }
0xb1: {  	_ =	task.clear_ibuf [dreg:s6], $0x5FFFF;
	_ =	strace $0x9000004C  }
0xb2: {  	s29 =	simm.s32 $0x9;
	_ =	strace $0x8000004E  }
0xb3: {  	_ =	swait.ge [sflag:s29], $0x1  }
0xb4: {  	[sflag:s29] =	ssyncadd.s32 $0xFFFFFFFF  }
0xb5: {  	_ =	strace $0x9000004E  }
0xb6: {  	_ =	sfence  }
0xb7: {  	s30 =	sld [smem:$0x0];
	_ =	sdelay $0x2  }
0xb8: {  	s31 =	sshll.u32 s1, $0xD;
	s1 =	sshrl.u32 s1, $0x2  }
0xb9: {  	s3 =	sand.u32 $0x4000, s31;
	s1 =	sadd.s32 s1, s30  }
0xba: {  	s0 =	sor.u32 s3, s0;
	s1 =	sshll.u32 s1, $0x11  }
0xbb: {  	s0 =	sor.u32 s1, s0  }
0xbc: {  	s0 =	sadd.s32 $0x8F2B, s0  }
0xbd: {  	[sflag:s0] =	ssyncadd.remote.s32 $0x1  }
0xbe: {  	_ =	sfence.sel $0xFFFF  }
0xbf: {  	[dreg:$0x0] =	wrdreg $0xFFFFFFFF;
	(pc) =	sbr.abs _section_cstart, $3  }
0xc0: {  	[dreg:$0x1] =	wrdreg $0xFFFFFFFF  }
0xc1: {  	_ =	task.clear_ibuf [dreg:s6], $0x2FFFF;
	_ =	strace $0x9FFFFFFF  }
0xc2: {  	(tm) =	ssettm $0x7FFFFFFF  }
0xc3: {  	_ =	shalt  }
tec
execute0_lowered:
.L_overlay_start_1:
0x0: {  	(tag) =	ssettag $0x1  }
0x1: {  	s8 =	rddreg [dreg:$0x0]  }
0x2: {  	s1 =	rddreg [dreg:$0x1]  }
0x3: {  	s2 =	srdreg.scid;
	s0 =	rddreg [dreg:$0x2]  }
0x4: {  	s3 =	simm.s32 $0x0;
	s15 =	simm.s32 $0x13C00;
	s16 =	simm.s32 $0x13C80  }
0x5: {  	s17 =	simm.s32 $0x80;
	s18 =	simm.s32 $0x13D00;
	s19 =	simm.s32 $0x1  }
0x6: {  	s20 =	simm.s32 $0x0;
	s12 =	sand.u32 $0x1, s2;
	s2 =	stileid.u32  }
0x7: {  	[smem:$0x7FF] =	sst s3;
	s4 =	sadd.s32 $0x18600, s8;
	s7 =	smul.u32 $0x13C000, s12  }
0x8: {  	s5 =	sadd.s32 $0x2200, s8;
	s6 =	sadd.s32 $0xC000, s8;
	s9 =	smul.u32 $0x13C00, s2  }
0x9: {  	_ =	strace $0x8000004D;
	s24 =	ssub.s32 $0x2, s12;
	s13 =	smul.u32 $0x4F000, s2  }
0xa: {  	s25 =	sshll.u32 s12, $0x4;
	s28 =	sshll.u32 s2, $0x6;
	s12 =	sshll.u32 s12, $0xB  }
0xb: {  	s31 =	sshll.u32 s2, $0x7;
	s11 =	sshrl.u32 s24, $0x1;
	s29 =	sor.u32 s25, s2  }
0xc: {  	s12 =	sor.u32 s31, s12;
	s7 =	sadd.s32 s9, s7;
	s11 =	ssub.s32 s24, s11  }
0xd: {  	s26 =	sshrl.u32 s13, $0x2;
	s30 =	ssub.s32 $0x9E3, s29;
	s10 =	sshrl.u32 s7, $0x3  }
0xe: {  	s7 =	sadd.s32 $0x15E00, s8;
	s14 =	sadd.s32 s26, s1;
	s10 =	sadd.s32 s10, s8  }
0xf: {  	s8 =	sor.u32 $0x1C02, s28;
	s13 =	sshrl.u32 s14, $0x3;
	s14 =	simm.s32 $0x2  }
0x10: {  	s9 =	sadd.s32 $0x3F800, s10;
	s10 =	smax.u32 s11, $0x1;
	s11 =	sshrl.u32 s30, $0x5  }
.LBB2_1:
0x11: {  	[spmem:s13], [sflag:s8] =	dma.local [hbm:s7], $0x2780  }
0x12: {  	p1 =	sne.s32 s11, $0x1  }
.Ltmp0:
0x13: {  	_ =	swait.ge [sflag:s14], $0x2780;
	(pc) =	sbr.rel @!p1 .LBB2_4-.Ltmp0, $4  }
0x14: {  	[sflag:s14] =	ssyncset.done $0x0  }
0x15: {  	[sflag:s14] =	ssyncadd.s32 $0xFFFFD880  }
0x16: {  	[bflag:$0x0] =	sbarrier.arrive $0xFFFF  }
0x17: {  	s21 =	sadd.s32 $0xFFFFFFFF, s11;
	s23 =	sshrl.u32 s12, $0x3;
	p0 =	por $0x0, $0x0  }
0x18: {  	s22 =	sadd.s32 s5, s23  }
0x19: {  	[tilespmem:s15], [sflag:$0x2] =	stream.linear.gather [hbm4b:s22+s3], $0x80, $0x38;
	[tilespmem:$0x17D00] =	vst v63  }
0x1a: {  	_ =	swait.ge [sflag:s14], $0x80  }
0x1b: {  	[sflag:s14] =	ssyncset.done $0x0  }
0x1c: {  	s31 =	sadd.s32 s6, s23;
	[sflag:s14] =	ssyncadd.s32 $0xFFFFFF80  }
0x1d: {  	[tilespmem:s16], [sflag:$0x2] =	stream.linear.gather [hbm4b:s31+s3], $0x80, $0x38;
	[tilespmem:$0x17D00] =	vst v63  }
0x1e: {  	_ =	swait.ge [sflag:s14], $0x80  }
0x1f: {  	[sflag:s14] =	ssyncset.done $0x0  }
0x20: {  	[sflag:s14] =	ssyncadd.s32 $0xFFFFFF80  }
0x21: {  	[tilespmem:s18], [sflag:$0x1] =	stream.indirect.gather [hbm4b:s4+s17], $0x80, s15, s17, $0xb8;
	[tilespmem:$0x17D00] =	vst v63  }
0x22: {  	p1 =	sne.s32 s21, $0x1;
	_ =	swait.ge [sflag:s19], $0x4000  }
.Ltmp1:
0x23: {  	[sflag:s19] =	ssyncset.done $0x0;
	(pc) =	sbr.rel @!p1 .LBB2_4-.Ltmp1, $4  }
0x24: {  	[sflag:s19] =	ssyncadd.s32 $0xFFFFC000  }
0x25: {  	[spmem:s1] =	stream.indirect.scatter.add.f32 [tilespmem:s18], [sflag:$0x2], $0x80, s16, s17, $0xb8;
	[tilespmem:$0x17D00] =	vst v63  }
0x26: {  	s21 =	sadd.s32 $0xFFFFFFFF, s21;
	s22 =	sadd.s32 $0x1000, s12;
	_ =	swait.ge [sflag:s14], $0x4000  }
0x27: {  	p0 =	por $0x1, $0x1;
	s23 =	sshrl.u32 s22, $0x3;
	[sflag:s14] =	ssyncset.done $0x0  }
.LBB2_3:
0x28: {  	p1 =	sne.s32 s21, $0x1;
	s24 =	sadd.s32 s5, s23;
	[sflag:s14] =	ssyncadd.s32 $0xFFFFC000  }
0x29: {  	[tilespmem:s15], [sflag:$0x2] =	stream.linear.gather [hbm4b:s24+s3], $0x80, $0x38;
	[tilespmem:$0x17D00] =	vst v63  }
0x2a: {  	s21 =	sadd.s32 $0xFFFFFFFF, s21;
	_ =	swait.ge [sflag:s14], $0x80  }
0x2b: {  	[sflag:s14] =	ssyncset.done $0x0  }
0x2c: {  	s23 =	sadd.s32 s6, s23;
	[sflag:s14] =	ssyncadd.s32 $0xFFFFFF80  }
0x2d: {  	[tilespmem:s16], [sflag:$0x2] =	stream.linear.gather [hbm4b:s23+s3], $0x80, $0x38;
	[tilespmem:$0x17D00] =	vst v63  }
0x2e: {  	_ =	swait.ge [sflag:s14], $0x80  }
0x2f: {  	[sflag:s14] =	ssyncset.done $0x0  }
0x30: {  	[sflag:s14] =	ssyncadd.s32 $0xFFFFFF80  }
0x31: {  	[tilespmem:s18], [sflag:$0x1] =	stream.indirect.gather [hbm4b:s4+s17], $0x80, s15, s17, $0xb8;
	[tilespmem:$0x17D00] =	vst v63  }
0x32: {  	_ =	swait.ge [sflag:s19], $0x4000  }
.Ltmp2:
0x33: {  	[sflag:s19] =	ssyncset.done $0x0;
	(pc) =	sbr.rel @p1 .LBB2_3-.Ltmp2, $4  }
0x34: {  	[sflag:s19] =	ssyncadd.s32 $0xFFFFC000  }
0x35: {  	[spmem:s1] =	stream.indirect.scatter.add.f32 [tilespmem:s18], [sflag:$0x2], $0x80, s16, s17, $0xb8;
	[tilespmem:$0x17D00] =	vst v63  }
0x36: {  	s22 =	sadd.s32 $0x1000, s22;
	_ =	swait.ge [sflag:s14], $0x4000  }
0x37: {  	s23 =	sshrl.u32 s22, $0x3;
	[sflag:s14] =	ssyncset.done $0x0  }
.LBB2_4:
0x38: {  	s21 =	sadd.s32 s5, s23;
	[sflag:s14] =	ssyncadd.s32 @p0 $0xFFFFC000  }
0x39: {  	[tilespmem:s15], [sflag:$0x2] =	stream.linear.gather [hbm4b:s21+s3], $0x80, $0x38;
	[tilespmem:$0x17D00] =	vst v63  }
0x3a: {  	_ =	swait.ge [sflag:s14], $0x80  }
0x3b: {  	[sflag:s14] =	ssyncset.done $0x0  }
0x3c: {  	s31 =	sadd.s32 s6, s23;
	[sflag:s14] =	ssyncadd.s32 $0xFFFFFF80  }
0x3d: {  	[tilespmem:s16], [sflag:$0x2] =	stream.linear.gather [hbm4b:s31+s3], $0x80, $0x38;
	[tilespmem:$0x17D00] =	vst v63  }
0x3e: {  	_ =	swait.ge [sflag:s14], $0x80  }
0x3f: {  	[sflag:s14] =	ssyncset.done $0x0  }
0x40: {  	[sflag:s14] =	ssyncadd.s32 $0xFFFFFF80  }
0x41: {  	[tilespmem:s18], [sflag:$0x1] =	stream.indirect.gather [hbm4b:s4+s17], $0x80, s15, s17, $0xb8;
	[tilespmem:$0x17D00] =	vst v63  }
0x42: {  	_ =	swait.ge [sflag:s19], $0x4000  }
0x43: {  	[sflag:s19] =	ssyncset.done $0x0  }
0x44: {  	[sflag:s19] =	ssyncadd.s32 $0xFFFFC000  }
0x45: {  	[spmem:s1] =	stream.indirect.scatter.add.f32 [tilespmem:s18], [sflag:$0x2], $0x80, s16, s17, $0xb8;
	[tilespmem:$0x17D00] =	vst v63  }
0x46: {  	_ =	swait.ge [sflag:s14], $0x4000  }
0x47: {  	s20 =	sadd.s32 $0x1, s20;
	[sflag:s14] =	ssyncset.done $0x0  }
0x48: {  	p0 =	sne.s32 s20, s10;
	[sflag:s14] =	ssyncadd.s32 $0xFFFFC000  }
.Ltmp3:
0x49: {  	[bflag:$0x0] =	sbarrier.arrive $0xFFFF;
	(pc) =	sbr.rel @p0 .LBB2_1-.Ltmp3, $4  }
0x4a: {  	[hbm:s9], [sflag:s8] =	dma.local [spmem:s13], $0x2780  }
0x4b: {  	_ =	swait.ge [sflag:s14], $0x2780  }
0x4c: {  	[sflag:s14] =	ssyncset.done $0x0  }
0x4d: {  	[sflag:s14] =	ssyncadd.s32 $0xFFFFD880  }
0x4e: {  	_ =	sfence.sel $0x180000  }
0x4f: {  	[bflag:$0x0] =	sbarrier.arrive $0xFFFF  }
0x50: {  	p0 =	sne.s32 s2, $0x0;
	_ =	strace $0x9000004D  }
0x51: {  	s0 =	sadd.s32 @!p0 $0x100000, s0;
	[bflag:$0x2] =	sbarrier.arrive $0xFFFF  }
0x52: {  	[sflag:s0] =	ssyncadd.tile.s32 @!p0 $0x1;
	_ =	shalt  }
.Lfunc_end2:
_tile_overlayer_lowered:
.L_overlay_start_2:
0x53: {  	(tag) =	ssettag $0x2  }
0x54: {  	s0 =	rddreg [dreg:$0x0];
	s2 =	stileid.u32  }
0x55: {  	s1 =	rddreg [dreg:$0x1];
	p0 =	sne.s32 s2, $0x0  }
0x56: {  	s3 =	rddreg [dreg:$0x2];
	[bflag:$0x3] =	sbarrier.arrive $0xFFFF;
	s2 =	simm.s32 @!p0 $0x1C02  }
0x57: {  	[timem:s3], [sflag:s2] =	dma.local @!p0 [hbm:s0], s1  }
0x58: {  	s0 =	simm.s32 @!p0 $0x2  }
0x59: {  	_ =	swait.ge @!p0 [sflag:s0], s1  }
0x5a: {  	s1 =	ssub.s32 @!p0 $0x0, s1;
	[sflag:s0] =	ssyncset.done @!p0 $0x0  }
0x5b: {  	[sflag:s0] =	ssyncadd.s32 @!p0 s1  }
0x5c: {  	[bflag:$0x3] =	sbarrier.arrive $0xFFFF  }
0x5d: {  	_ =	shalt  }

// kernel: kernel.8.cloned.1.call-start
scs
__scs_entry_jumppad:
0x0: {  	(pc) =	sbr.rel $0x88, $3  }
0x1: {  	(tag) =	ssettag $0x0;
	lr =	simm.s32 $0x1  }
0x2: {  	[smem:$0x3F99] =	sst lr;
	_ =	strace $0xD0000000  }
0x3: {  	_ = 	snop  }
0x4: {  	_ = 	snop  }
0x5: {  	_ = 	snop  }
0x6: {  	_ = 	snop  }
0x7: {  	_ = 	snop  }
__scs_overlays_trampoline_lowered:
0x8: {  	[smem:$0x3FA8] =	sst s0  }
0x9: {  	[smem:$0x3FA9] =	sst s1  }
0xa: {  	[smem:$0x3FAA] =	sst s2  }
0xb: {  	[smem:$0x3FAB] =	sst s3  }
0xc: {  	[smem:$0x3FAC] =	sst s4  }
0xd: {  	[smem:$0x3FAD] =	sst s5  }
0xe: {  	[smem:$0x3FAE] =	sst s6  }
0xf: {  	[smem:$0x3FAF] =	sst s7  }
0x10: {  	[smem:$0x3FB0] =	sst s8  }
0x11: {  	[smem:$0x3FB1] =	sst s9;
	s0 =	simm.s32 @!p0 $0x0  }
0x12: {  	s1 =	sld [smem:$0x3F97];
	s0 =	simm.s32 @p0 $0x1  }
0x13: {  	[smem:$0x3FB2] =	sst s0;
	s0 =	simm.s32 @!p1 $0x0  }
0x14: {  	s2 =	sld [smem:$0x3F96];
	s0 =	simm.s32 @p1 $0x1  }
0x15: {  	[smem:$0x3FB3] =	sst s0;
	s0 =	simm.s32 @!p2 $0x0  }
0x16: {  	s3 =	sld [smem:$0x3FDB];
	s0 =	simm.s32 @p2 $0x1  }
0x17: {  	s4 =	simm.s32 $0x1BF5;
	[smem:$0x3FB5] =	sst s0  }
0x18: {  	s0 =	sld [smem:$0x3F98];
	_ =	swait.ge [sflag:s4], $0x0  }
0x19: {  	s7 =	sld [smem:$0x3F99]  }
0x1a: {  	s8 =	sadd.s32 $0xFFFFE003, lr  }
0x1b: {  	s9 =	sadd.s32 $0xFFFFFEF7, lr;
	s5 =	simm.s32 $0xFFFFFFFF;
	p2 =	slt.u32 s8, $0xFFFFF086  }
0x1c: {  	p1 =	slt.u32 s9, $0xF7A;
	s5 =	simm.s32 @!p2 $0x0  }
0x1d: {  	s5 =	simm.s32 @p1 $0x1;
	p0 =	seq.s32 s7, s2  }
0x1e: {  	s7 =	smul.u32 @!p0 $0xF7A, s2;
	p2 =	seq.s32 @!p0 s5, $0x0  }
0x1f: {  	s9 =	smul.u32 $0xF7A, s1;
	s8 =	simm.s32 @!p0 $0x1BF5;
	p2 =	por !p2, p0  }
0x20: {  	[sflag:s8] =	ssyncset.s32 @!p0 $0xFFFFF086;
	s6 =	sadd.s32 @!p0 s3, s7;
	s7 =	simm.s32 @!p0 $0x108  }
0x21: {  	s3 =	sadd.s32 s3, s9;
	s6 =	sadd.s32 @!p0 $0x88, s6;
	s7 =	simm.s32 @p2 $0x1082  }
0x22: {  	[simem:s7], [sflag:s8] =	dma.local @!p0 [hbm:s6], $0xF7A  }
0x23: {  	s9 =	sor.u32 $0xD0000000, s2;
	s6 =	simm.s32 $0x108;
	_ =	swait.ge @!p0 [sflag:s8], $0x0  }
0x24: {  	s3 =	sadd.s32 $0x88, s3;
	s6 =	simm.s32 @!p1 $0x1082;
	[sflag:s4] =	ssyncset.s32 $0xFFFFF086  }
0x25: {  	[simem:s6], [sflag:s4] =	dma.local [hbm:s3], $0xF7A  }
0x26: {  	[smem:$0x3F99] =	sst s1;
	(tag) =	ssettag s2;
	_ =	strace s9  }
0x27: {  	s1 =	sld [smem:$0x3FA9]  }
0x28: {  	s2 =	sld [smem:$0x3FAA]  }
0x29: {  	s4 =	sld [smem:$0x3FAC]  }
0x2a: {  	p0 =	seq.s32 s5, $0x0;
	s5 =	sld [smem:$0x3FAD]  }
0x2b: {  	s6 =	sld [smem:$0x3FAE]  }
0x2c: {  	s7 =	sld [smem:$0x3FAF]  }
0x2d: {  	s3 =	simm.s32 $0x108;
	s8 =	sld [smem:$0x3FB0]  }
0x2e: {  	s3 =	simm.s32 @!p0 $0x1082;
	s9 =	sld [smem:$0x3FB1]  }
0x2f: {  	lr =	sadd.s32 s0, s3;
	s0 =	sld [smem:$0x3FA8]  }
0x30: {  	s3 =	sld [smem:$0x3FAB]  }
0x31: {  	[smem:$0x3FB4] =	sst s10  }
0x32: {  	s10 =	sld [smem:$0x3FB2];
	_ =	sdelay $0x3  }
0x33: {  	p0 =	seq.s32 s10, $0x1;
	s10 =	sld [smem:$0x3FB4];
	_ =	sdelay $0x3  }
0x34: {  	[smem:$0x3FB4] =	sst s10  }
0x35: {  	s10 =	sld [smem:$0x3FB3];
	_ =	sdelay $0x3  }
0x36: {  	p1 =	seq.s32 s10, $0x1;
	s10 =	sld [smem:$0x3FB4];
	_ =	sdelay $0x3  }
0x37: {  	[smem:$0x3FB4] =	sst s10  }
0x38: {  	s10 =	sld [smem:$0x3FB5]  }
0x39: {  	_ = 	snop;
	(pc) =	sbr.ind lr, $3  }
0x3a: {  	_ = 	snop  }
0x3b: {  	_ = 	snop  }
0x3c: {  	p2 =	seq.s32 s10, $0x1;
	s10 =	sld [smem:$0x3FB4]  }
0x3d: {  	_ =	shalt  }
0x3e: {  	_ =	shalt  }
0x3f: {  	_ =	shalt  }
0x40: {  	_ =	shalt  }
0x41: {  	_ =	shalt  }
0x42: {  	_ =	shalt  }
0x43: {  	_ =	shalt  }
0x44: {  	_ =	shalt  }
0x45: {  	_ =	shalt  }
0x46: {  	_ =	shalt  }
0x47: {  	_ =	shalt  }
0x48: {  	_ =	shalt  }
0x49: {  	_ =	shalt  }
0x4a: {  	_ =	shalt  }
0x4b: {  	_ =	shalt  }
0x4c: {  	_ =	shalt  }
0x4d: {  	_ =	shalt  }
0x4e: {  	_ =	shalt  }
0x4f: {  	_ =	shalt  }
0x50: {  	_ =	shalt  }
0x51: {  	_ =	shalt  }
0x52: {  	_ =	shalt  }
0x53: {  	_ =	shalt  }
0x54: {  	_ =	shalt  }
0x55: {  	_ =	shalt  }
0x56: {  	_ =	shalt  }
0x57: {  	_ =	shalt  }
0x58: {  	_ =	shalt  }
0x59: {  	_ =	shalt  }
0x5a: {  	_ =	shalt  }
0x5b: {  	_ =	shalt  }
0x5c: {  	_ =	shalt  }
0x5d: {  	_ =	shalt  }
0x5e: {  	_ =	shalt  }
0x5f: {  	_ =	shalt  }
0x60: {  	_ =	shalt  }
0x61: {  	_ =	shalt  }
0x62: {  	_ =	shalt  }
0x63: {  	_ =	shalt  }
0x64: {  	_ =	shalt  }
0x65: {  	_ =	shalt  }
0x66: {  	_ =	shalt  }
0x67: {  	_ =	shalt  }
0x68: {  	_ =	shalt  }
0x69: {  	_ =	shalt  }
0x6a: {  	_ =	shalt  }
0x6b: {  	_ =	shalt  }
0x6c: {  	_ =	shalt  }
0x6d: {  	_ =	shalt  }
0x6e: {  	_ =	shalt  }
0x6f: {  	_ =	shalt  }
0x70: {  	_ =	shalt  }
0x71: {  	_ =	shalt  }
0x72: {  	_ =	shalt  }
0x73: {  	_ =	shalt  }
0x74: {  	_ =	shalt  }
0x75: {  	_ =	shalt  }
0x76: {  	_ =	shalt  }
0x77: {  	_ =	shalt  }
0x78: {  	_ =	shalt  }
0x79: {  	_ =	shalt  }
0x7a: {  	_ =	shalt  }
0x7b: {  	_ =	shalt  }
0x7c: {  	_ =	shalt  }
0x7d: {  	_ =	shalt  }
0x7e: {  	_ =	shalt  }
0x7f: {  	_ =	shalt  }
0x80: {  	_ =	shalt  }
0x81: {  	_ =	shalt  }
0x82: {  	_ =	shalt  }
0x83: {  	_ =	shalt  }
0x84: {  	_ =	shalt  }
0x85: {  	_ =	shalt  }
0x86: {  	_ =	shalt  }
0x87: {  	_ =	shalt  }
.Lfunc_end0:
.L_simem_size_0:
called_computation_lowered:
.L_overlay_start_0:
0x88: {  	s2 =	sld [smem:$0x3FD9]  }
0x89: {  	s3 =	sld [smem:$0x3FFE];
	_ =	sdelay $0x1  }
0x8a: {  	s1 =	srdreg.scid  }
0x8b: {  	s0 =	sand.u32 $0x1, s1  }
0x8c: {  	s17 =	sshll.u32 s0, $0xA;
	s2 =	sadd.s32 s3, s2  }
0x8d: {  	s2 =	sadd.s32 s2, s17  }
0x8e: {  	[smem:$0x3FC0] =	sst s2  }
0x8f: {  	_ = 	snop  }
0x90: {  	s2 =	sld [smem:$0x3FD0];
	(tm) =	ssettm $0x1  }
0x91: {  	s18 =	sld [smem:$0x3FFB];
	_ =	sdelay $0x3  }
0x92: {  	_ =	strace s18  }
0x93: {  	s3 =	sld [smem:$0x3FFC];
	_ =	sdelay $0x3  }
0x94: {  	_ =	strace s3  }
0x95: {  	s3 =	sld [smem:$0x3FFD];
	_ =	sdelay $0x3  }
0x96: {  	_ =	strace s3  }
0x97: {  	_ =	strace $0x8FFFFFFF  }
0x98: {  	s19 =	sld [smem:$0x3FDB];
	_ =	sdelay $0x1  }
0x99: {  	s4 =	simm.s32 $_scs_section_size  }
0x9a: {  	s5 =	simm.s32 $_size__tile_overlayer_lowered;
	s6 =	simm.s32 $_tile_overlayer_lowered  }
0x9b: {  	s22 =	simm.s32 $0x1BFF;
	s21 =	sshll.u32 s6, $0x1;
	s3 =	sadd.s32 s4, s19  }
0x9c: {  	s7 =	simm.s32 $0x0;
	s20 =	sshll.u32 s5, $0x1;
	s5 =	sadd.s32 s21, s3  }
0x9d: {  	[timem:s7], [sflag:s22] =	dma.local [hbm:s5], s20  }
0x9e: {  	_ =	swait.ge [sflag:s22], s20  }
0x9f: {  	s4 =	ssub.s32 $0x0, s20;
	[sflag:s22] =	ssyncset.done $0x0  }
0xa0: {  	[sflag:s22] =	ssyncadd.s32 s4;
	_ =	sdelay $0x1  }
0xa1: {  	s23 =	simm.s32 $0x1B8B  }
0xa2: {  	_ =	swait.ge [sflag:s23], $0x1  }
0xa3: {  	[sflag:s23] =	ssyncset.done $0x0  }
0xa4: {  	s25 =	simm.s32 $0x1B8E;
	s24 =	sld [smem:$0x3FFE];
	[sflag:s23] =	ssyncadd.s32 $0xFFFFFFFF  }
0xa5: {  	s26 =	simm.s32 $execute0_lowered;
	[smem:$0x3FD2] =	sst s25  }
0xa6: {  	s5 =	sshll.u32 s26, $0x1;
	_ =	strace $0x80000046;
	[dreg:$0x1] =	wrdreg $0xFFFFFFFF  }
0xa7: {  	s28 =	simm.s32 $_size_execute0_lowered;
	s3 =	sadd.s32 s3, s5;
	[dreg:$0x0] =	wrdreg $0x0  }
0xa8: {  	s5 =	sshll.u32 s28, $0x1;
	[dreg:$0x2] =	wrdreg s3  }
0xa9: {  	[dreg:$0x3] =	wrdreg s5  }
0xaa: {  	[dreg:$0x4] =	wrdreg $0xC0  }
0xab: {  	_ =	task [dreg:s7], $0x5FFFF  }
0xac: {  	[dreg:$0x1] =	wrdreg $0xFFFFFFFF  }
0xad: {  	[dreg:$0x0] =	wrdreg $0x60  }
0xae: {  	[dreg:$0x2] =	wrdreg s2  }
0xaf: {  	[dreg:$0x3] =	wrdreg s24  }
0xb0: {  	[dreg:$0x4] =	wrdreg $0x0  }
0xb1: {  	[dreg:$0x5] =	wrdreg $0x9  }
0xb2: {  	_ =	task.clear_ibuf [dreg:s7], $0x6FFFF;
	_ =	strace $0x90000046  }
0xb3: {  	s29 =	simm.s32 $0x9;
	_ =	strace $0x80000048  }
0xb4: {  	_ =	swait.ge [sflag:s29], $0x1  }
0xb5: {  	[sflag:s29] =	ssyncadd.s32 $0xFFFFFFFF  }
0xb6: {  	_ =	strace $0x90000048  }
0xb7: {  	_ =	sfence  }
0xb8: {  	s30 =	sld [smem:$0x0];
	_ =	sdelay $0x2  }
0xb9: {  	s31 =	sshll.u32 s1, $0xD;
	s1 =	sshrl.u32 s1, $0x2  }
0xba: {  	s3 =	sand.u32 $0x4000, s31;
	s1 =	sadd.s32 s1, s30  }
0xbb: {  	s0 =	sor.u32 s3, s0;
	s1 =	sshll.u32 s1, $0x11  }
0xbc: {  	s0 =	sor.u32 s1, s0  }
0xbd: {  	s0 =	sadd.s32 $0x8F2B, s0  }
0xbe: {  	[sflag:s0] =	ssyncadd.remote.s32 $0x1  }
0xbf: {  	_ =	sfence.sel $0xFFFF  }
0xc0: {  	[dreg:$0x0] =	wrdreg $0xFFFFFFFF;
	(pc) =	sbr.abs _section_cstart, $3  }
0xc1: {  	[dreg:$0x1] =	wrdreg $0xFFFFFFFF  }
0xc2: {  	_ =	task.clear_ibuf [dreg:s7], $0x2FFFF;
	_ =	strace $0x9FFFFFFF  }
0xc3: {  	(tm) =	ssettm $0x7FFFFFFF  }
tec
execute0_lowered:
.L_overlay_start_1:
0x0: {  	(tag) =	ssettag $0x1  }
0x1: {  	s6 =	rddreg [dreg:$0x0]  }
0x2: {  	s7 =	rddreg [dreg:$0x1]  }
0x3: {  	s1 =	rddreg [dreg:$0x2];
	s2 =	srdreg.scid  }
0x4: {  	s0 =	rddreg [dreg:$0x3];
	s3 =	simm.s32 $0x0;
	s13 =	simm.s32 $0x16400  }
0x5: {  	s14 =	simm.s32 $0x80;
	s8 =	sand.u32 $0x1, s2;
	s2 =	stileid.u32  }
0x6: {  	s15 =	simm.s32 $0x0;
	[smem:$0x7FF] =	sst s3;
	s9 =	smul.u32 $0x13C000, s8  }
0x7: {  	s4 =	sadd.s32 $0x15E00, s7;
	s5 =	sadd.s32 $0x18600, s7;
	s10 =	smul.u32 $0x13C00, s2  }
0x8: {  	_ =	strace $0x80000047;
	s28 =	sshll.u32 s8, $0x4;
	s8 =	ssub.s32 $0x2, s8  }
0x9: {  	s11 =	smul.u32 $0x4F000, s2;
	s31 =	sshll.u32 s2, $0x6;
	s12 =	sshrl.u32 s8, $0x1  }
0xa: {  	s9 =	sadd.s32 s10, s9;
	s10 =	sor.u32 s2, s28;
	s8 =	ssub.s32 s8, s12  }
0xb: {  	s29 =	sshrl.u32 s11, $0x2;
	s11 =	sor.u32 $0x1C01, s31;
	s9 =	sshrl.u32 s9, $0x3  }
0xc: {  	s10 =	smul.u32 $0x500, s10;
	s30 =	sadd.s32 s29, s1;
	s8 =	smax.u32 s8, $0x1  }
0xd: {  	s7 =	sadd.s32 s9, s7;
	s9 =	simm.s32 $0x13C00;
	s12 =	sshrl.u32 s30, $0x3  }
0xe: {  	s6 =	sadd.s32 s6, s10;
	s7 =	sadd.s32 $0x18E00, s7;
	s10 =	simm.s32 $0x1  }
.LBB2_1:
0xf: {  	[tilespmem:s9], [sflag:$0x1] =	stream.linear.gather [hbm4b:s6+s3], $0x2800, $0x38;
	[tilespmem:$0x1A400] =	vst v63  }
0x10: {  	_ =	swait.ge [sflag:s10], $0x2800  }
0x11: {  	[sflag:s10] =	ssyncset.done $0x0  }
0x12: {  	[sflag:s10] =	ssyncadd.s32 $0xFFFFD800  }
0x13: {  	[spmem:s12], [sflag:s11] =	dma.local [hbm:s4], $0x2780  }
0x14: {  	_ =	swait.ge [sflag:s10], $0x2780  }
0x15: {  	[sflag:s10] =	ssyncset.done $0x0  }
0x16: {  	[sflag:s10] =	ssyncadd.s32 $0xFFFFD880  }
0x17: {  	[tilespmem:s13], [sflag:$0x1] =	stream.linear.gather [hbm4b:s5+s3], $0x4000, $0x38;
	[tilespmem:$0x1A400] =	vst v63  }
0x18: {  	_ =	swait.ge [sflag:s10], $0x4000  }
0x19: {  	[sflag:s10] =	ssyncset.done $0x0  }
0x1a: {  	[sflag:s10] =	ssyncadd.s32 $0xFFFFC000  }
0x1b: {  	s16 =	simm.s32 $0x13C00;
	[bflag:$0x0] =	sbarrier.arrive $0xFFFF  }
0x1c: {  	[spmem:s1] =	stream.indirect.scatter.add.f32 [tilespmem:s13], [sflag:$0x1], $0x80, s16, s14, $0xb8;
	[tilespmem:$0x1A400] =	vst v63  }
0x1d: {  	s16 =	simm.s32 $0x200;
	_ =	swait.ge [sflag:s10], $0x4000  }
.LBB2_2:
0x1e: {  	s17 =	sshra.s32 s16, $0x2;
	[sflag:s10] =	ssyncset.done $0x0;
	p0 =	sne.s32 s16, $0x9E00  }
.Ltmp0:
0x1f: {  	s17 =	sadd.s32 $0x13C00, s17;
	[sflag:s10] =	ssyncadd.s32 $0xFFFFC000;
	(pc) =	sbr.rel @p0 .LBB2_2-.Ltmp0, $3  }
0x20: {  	[spmem:s1] =	stream.indirect.scatter.add.f32 [tilespmem:s13], [sflag:$0x1], $0x80, s17, s14, $0xb8;
	[tilespmem:$0x1A400] =	vst v63  }
0x21: {  	s16 =	sadd.s32 $0x200, s16;
	_ =	sdelay $0x1  }
0x22: {  	_ =	swait.ge [sflag:s10], $0x4000  }
0x23: {  	[sflag:s10] =	ssyncset.done $0x0;
	s15 =	sadd.s32 $0x1, s15  }
0x24: {  	[sflag:s10] =	ssyncadd.s32 $0xFFFFC000;
	p0 =	sne.s32 s15, s8  }
.Ltmp1:
0x25: {  	[bflag:$0x0] =	sbarrier.arrive $0xFFFF;
	(pc) =	sbr.rel @p0 .LBB2_1-.Ltmp1, $4  }
0x26: {  	[hbm:s7], [sflag:s11] =	dma.local [spmem:s12], $0x2780  }
0x27: {  	_ =	swait.ge [sflag:s10], $0x2780  }
0x28: {  	[sflag:s10] =	ssyncset.done $0x0  }
0x29: {  	[sflag:s10] =	ssyncadd.s32 $0xFFFFD880  }
0x2a: {  	_ =	sfence.sel $0x180000  }
0x2b: {  	[bflag:$0x0] =	sbarrier.arrive $0xFFFF  }
0x2c: {  	p0 =	sne.s32 s2, $0x0;
	_ =	strace $0x90000047  }
0x2d: {  	s0 =	sadd.s32 @!p0 $0x100000, s0;
	[bflag:$0x2] =	sbarrier.arrive $0xFFFF  }
0x2e: {  	[sflag:s0] =	ssyncadd.tile.s32 @!p0 $0x1;
	_ =	shalt  }
.Lfunc_end2:
_tile_overlayer_lowered:
.L_overlay_start_2:
0x2f: {  	(tag) =	ssettag $0x2  }
0x30: {  	s0 =	rddreg [dreg:$0x0];
	s2 =	stileid.u32  }
0x31: {  	s1 =	rddreg [dreg:$0x1];
	p0 =	sne.s32 s2, $0x0  }
0x32: {  	s3 =	rddreg [dreg:$0x2];
	[bflag:$0x3] =	sbarrier.arrive $0xFFFF;
	s2 =	simm.s32 @!p0 $0x1C01  }
0x33: {  	[timem:s3], [sflag:s2] =	dma.local @!p0 [hbm:s0], s1  }
0x34: {  	s0 =	simm.s32 @!p0 $0x1  }
0x35: {  	_ =	swait.ge @!p0 [sflag:s0], s1  }
0x36: {  	s1 =	ssub.s32 @!p0 $0x0, s1;
	[sflag:s0] =	ssyncset.done @!p0 $0x0  }
0x37: {  	[sflag:s0] =	ssyncadd.s32 @!p0 s1  }
0x38: {  	[bflag:$0x3] =	sbarrier.arrive $0xFFFF  }
0x39: {  	_ =	shalt  }

</sc_bundles>
